<compile_context>
chip_gen: v7x
topology: tpu7x:2x2x1
jax: 0.10.2.dev20260603
libtpu: 0.0.44.dev20260713+nightly
codegen_flags: <defaults>
</compile_context>

<pallas_src>
import functools

import jax
import jax.numpy as jnp
from jax import lax
from jax.experimental import pallas as pl
from jax.experimental.pallas import tpu as pltpu
from jax.experimental.pallas import tpu_sc as plsc

N_TRI = 1048576
N_ENT = 1000000
N_REL = 1000

NC = 2
NS = 16
NW = NC * NS
PER_W = N_TRI // NW
CHUNK = 8192
STEPS = PER_W // CHUNK
NCHUNK = 2 * STEPS

ENT_STRIPE = 62464
ENT_BULK = NS * ENT_STRIPE
ENT2_PAD = 640
TAB_PAD = 1000448
REL_PAD = 1024

R_UNROLL = 4
HALF_R = PER_W // 2
R_SLICE = HALF_R // STEPS


def _make_sc_gather():
    mesh = plsc.VectorSubcoreMesh(core_axis_name="c", subcore_axis_name="s")
    col = jax.ShapeDtypeStruct((N_TRI,), jnp.int32)

    @functools.partial(
        pl.kernel,
        mesh=mesh,
        compiler_params=pltpu.CompilerParams(needs_layout_passes=False),
        out_type=(col, col, col),
        scratch_types=[
            pltpu.VMEM((CHUNK,), jnp.int32),
            pltpu.VMEM((CHUNK,), jnp.int32),
            pltpu.VMEM((CHUNK,), jnp.int32),
            pltpu.VMEM((CHUNK,), jnp.int32),
            pltpu.VMEM((HALF_R,), jnp.int32),
            pltpu.VMEM((HALF_R,), jnp.int32),
            pltpu.VMEM((REL_PAD,), jnp.int32),
            pltpu.VMEM_SHARED((TAB_PAD,), jnp.int32),
            pltpu.SemaphoreType.DMA,
            pltpu.SemaphoreType.DMA,
            pltpu.SemaphoreType.DMA,
            pltpu.SemaphoreType.DMA,
            pltpu.SemaphoreType.DMA,
            pltpu.SemaphoreType.DMA,
            pltpu.SemaphoreType.DMA,
            pltpu.SemaphoreType.DMA,
        ],
    )
    def body(h_hbm, r_hbm, t_hbm, ent_hbm, ent2_hbm, rel_hbm,
             ho_hbm, ro_hbm, to_hbm,
             idx0, idx1, val0, val1, ridx, rval, rel_v, tab_sh,
             si0, si1, sg0, sg1, so0, so1, srin, srout):
        cid = lax.axis_index("c")
        sid = lax.axis_index("s")
        wid = sid * NC + cid
        base = wid * PER_W

        idx = (idx0, idx1)
        val = (val0, val1)
        s_in = (si0, si1)
        s_g = (sg0, sg1)
        s_out = (so0, so1)

        srcs = (h_hbm, t_hbm)
        dsts = (ho_hbm, to_hbm)

        def src_slice(k):
            s, i = divmod(k, STEPS)
            return srcs[s].at[pl.ds(base + i * CHUNK, CHUNK)]

        def dst_slice(k):
            s, i = divmod(k, STEPS)
            return dsts[s].at[pl.ds(base + i * CHUNK, CHUNK)]

        ins = [None] * (NCHUNK + 2)
        outs = [None] * NCHUNK
        gs = [None] * NCHUNK

        ins[0] = pltpu.async_copy(src_slice(0), idx[0], s_in[0])
        ins[1] = pltpu.async_copy(src_slice(1), idx[1], s_in[1])
        r_in = pltpu.async_copy(r_hbm.at[pl.ds(base, HALF_R)], ridx, srin)

        so = sid * ENT_STRIPE
        pltpu.sync_copy(ent_hbm.at[pl.ds(so, ENT_STRIPE)],
                        tab_sh.at[pl.ds(so, ENT_STRIPE)])

        @pl.when(sid == 1)
        def _():
            pltpu.sync_copy(ent2_hbm, tab_sh.at[pl.ds(ENT_BULK, ENT2_PAD)])

        pltpu.sync_copy(rel_hbm, rel_v)
        plsc.subcore_barrier()

        ins[0].wait()
        gs[0] = pltpu.async_copy(tab_sh.at[idx[0]], val[0], s_g[0])
        r_in.wait()

        def r_slice(k):
            r0 = (k % STEPS) * R_SLICE

            def it(j, _):
                for u in range(R_UNROLL):
                    s = r0 + (j * R_UNROLL + u) * 16
                    v = ridx[pl.ds(s, 16)]
                    rval[pl.ds(s, 16)] = plsc.load_gather(rel_v, [v])
                return 0

            lax.fori_loop(0, R_SLICE // (16 * R_UNROLL), it, 0)

        r_out0 = None
        for k in range(NCHUNK):
            b = k % 2
            nb = (k + 1) % 2
            if k + 1 < NCHUNK:
                ins[k + 1].wait()
                if k >= 1:
                    outs[k - 1].wait()
                gs[k + 1] = pltpu.async_copy(
                    tab_sh.at[idx[nb]], val[nb], s_g[nb])
            if k == STEPS:
                r_in.wait()
                r_out0.wait()
            r_slice(k)
            if k == STEPS - 1:
                r_out0 = pltpu.async_copy(
                    rval, ro_hbm.at[pl.ds(base, HALF_R)], srout)
                r_in = pltpu.async_copy(
                    r_hbm.at[pl.ds(base + HALF_R, HALF_R)], ridx, srin)
            gs[k].wait()
            outs[k] = pltpu.async_copy(val[b], dst_slice(k), s_out[b])
            if k + 2 < NCHUNK:
                ins[k + 2] = pltpu.async_copy(src_slice(k + 2), idx[b], s_in[b])

        r_out1 = pltpu.async_copy(
            rval, ro_hbm.at[pl.ds(base + HALF_R, HALF_R)], srout)
        outs[NCHUNK - 2].wait()
        outs[NCHUNK - 1].wait()
        r_out1.wait()

    return body


_sc_gather = _make_sc_gather()


def kernel(raw_triples, entity_map, relation_map):
    raw_triples = raw_triples.astype(jnp.int32)
    h = raw_triples[:, 0]
    r = raw_triples[:, 1]
    t = raw_triples[:, 2]
    ent = entity_map.astype(jnp.int32)
    ent2 = jnp.pad(ent[ENT_BULK:], (0, ENT2_PAD - (N_ENT - ENT_BULK)))
    rel = jnp.pad(relation_map.astype(jnp.int32), (0, REL_PAD - N_REL))
    h_enc, r_enc, t_enc = _sc_gather(h, r, t, ent, ent2, rel)
    return jnp.stack((h_enc, r_enc, t_enc), axis=1)

# --- scband reference (transcript-rebuilt; emitter-appended) ---
"""Pipeline reference for scband-kgencoder-55929064129415 (READ-ONLY COPY).

The authoritative reference and input builder live on the scoring server;
editing this copy changes nothing except your own understanding.
"""

import jax, jax.numpy as jnp
import numpy as np

N_TRIPLES = 1048576
NUM_ENTITIES = 1000000
NUM_RELATIONS = 1000


def setup_inputs(seed: int = 0) -> dict:
    key = jax.random.key(seed)
    k1, k2, k3, k4, k5 = jax.random.split(key, 5)
    # Raw triples are pre-tokenized string ids: (head, rel, tail).
    heads = jax.random.randint(k1, (N_TRIPLES,), 0, NUM_ENTITIES, dtype=jnp.int64)
    rels = jax.random.randint(k2, (N_TRIPLES,), 0, NUM_RELATIONS, dtype=jnp.int64)
    tails = jax.random.randint(k3, (N_TRIPLES,), 0, NUM_ENTITIES, dtype=jnp.int64)
    raw_triples = jnp.stack((heads, rels, tails), axis=1)
    # StringLookup vocabulary order modeled as a permutation mapping
    # raw token id -> label-encoded id.
    entity_map = jax.random.permutation(k4, jnp.arange(NUM_ENTITIES, dtype=jnp.int64))
    relation_map = jax.random.permutation(k5, jnp.arange(NUM_RELATIONS, dtype=jnp.int64))
    return {"raw_triples": raw_triples, "entity_map": entity_map, "relation_map": relation_map}


def reference(raw_triples, entity_map, relation_map):
    # Faithful translation of KGEncoder.call: unstack (N,3) triples,
    # lookup-encode heads/tails via the entity table and relations via the
    # relation table (tf.keras.layers.StringLookup -> integer-id gather),
    # then restack along axis=1.
    head = raw_triples[:, 0]
    rel = raw_triples[:, 1]
    tail = raw_triples[:, 2]
    h_enc = jnp.take(entity_map, head, axis=0)
    r_enc = jnp.take(relation_map, rel, axis=0)
    t_enc = jnp.take(entity_map, tail, axis=0)
    return jnp.stack((h_enc, r_enc, t_enc), axis=1)

if __name__ == "__main__":
    import jax
    _d = setup_inputs()
    print(jax.jit(kernel)(*tuple(_d.values())))

</pallas_src>

<mosaic_0001>
#map = affine_map<(d0, d1) -> (0)>
module attributes {stable_mosaic.version = 14 : i64} {
  func.func @body(%arg0: i32, %arg1: i32, %arg2: memref<1048576xi32, #tpu.memory_space<hbm>>, %arg3: memref<1048576xi32, #tpu.memory_space<hbm>>, %arg4: memref<1048576xi32, #tpu.memory_space<hbm>>, %arg5: memref<1000000xi32, #tpu.memory_space<hbm>>, %arg6: memref<640xi32, #tpu.memory_space<hbm>>, %arg7: memref<1024xi32, #tpu.memory_space<hbm>>, %arg8: memref<1048576xi32, #tpu.memory_space<hbm>>, %arg9: memref<1048576xi32, #tpu.memory_space<hbm>>, %arg10: memref<1048576xi32, #tpu.memory_space<hbm>>, %arg11: memref<8192xi32, #tpu.memory_space<vmem>>, %arg12: memref<8192xi32, #tpu.memory_space<vmem>>, %arg13: memref<8192xi32, #tpu.memory_space<vmem>>, %arg14: memref<8192xi32, #tpu.memory_space<vmem>>, %arg15: memref<16384xi32, #tpu.memory_space<vmem>>, %arg16: memref<16384xi32, #tpu.memory_space<vmem>>, %arg17: memref<1024xi32, #tpu.memory_space<vmem>>, %arg18: memref<1000448xi32, #tpu.memory_space<vmem_shared>>, %arg19: memref<!tpu.dma_semaphore, #tpu.memory_space<semaphore_mem>>, %arg20: memref<!tpu.dma_semaphore, #tpu.memory_space<semaphore_mem>>, %arg21: memref<!tpu.dma_semaphore, #tpu.memory_space<semaphore_mem>>, %arg22: memref<!tpu.dma_semaphore, #tpu.memory_space<semaphore_mem>>, %arg23: memref<!tpu.dma_semaphore, #tpu.memory_space<semaphore_mem>>, %arg24: memref<!tpu.dma_semaphore, #tpu.memory_space<semaphore_mem>>, %arg25: memref<!tpu.dma_semaphore, #tpu.memory_space<semaphore_mem>>, %arg26: memref<!tpu.dma_semaphore, #tpu.memory_space<semaphore_mem>>) attributes {dimension_semantics = [#tpu.dimension_semantics<core_parallel>, #tpu.dimension_semantics<subcore_parallel>], iteration_bounds = array<i64: 2, 16>, scalar_prefetch = 0 : i64, scratch_operands = 16 : i64, tpu.core_type = #tpu.core_type<sc_vector_subcore>, window_params = [{transform_indices = #map}, {transform_indices = #map}, {transform_indices = #map}, {transform_indices = #map}, {transform_indices = #map}, {transform_indices = #map}, {transform_indices = #map}, {transform_indices = #map}, {transform_indices = #map}]} {
    %mul3A = arith.constant 2 : i32
    %mul3A_0 = arith.muli %arg1, %mul3A : i32
    %add3A = arith.addi %mul3A_0, %arg0 : i32
    %mul3A_1 = arith.constant 32768 : i32
    %mul3A_2 = arith.muli %add3A, %mul3A_1 : i32
    %add3A_3 = arith.constant 0 : i32
    %add3A_4 = arith.addi %mul3A_2, %add3A_3 : i32
    %dma_start3A = tpu.memref_slice %arg2[%add3A_4] : memref<1048576xi32, #tpu.memory_space<hbm>> -> memref<8192xi32, #tpu.memory_space<hbm>>
    %dma_start3A_5 = tpu.memref_slice %arg2[%add3A_4] : memref<1048576xi32, #tpu.memory_space<hbm>> -> memref<8192xi32, #tpu.memory_space<hbm>>
    tpu.enqueue_dma source(%dma_start3A_5 : memref<8192xi32, #tpu.memory_space<hbm>>) target(%arg11 : memref<8192xi32, #tpu.memory_space<vmem>>) target_semaphore(%arg19 : memref<!tpu.dma_semaphore, #tpu.memory_space<semaphore_mem>>)
    %add3A_6 = arith.constant 8192 : i32
    %add3A_7 = arith.addi %mul3A_2, %add3A_6 : i32
    %dma_start3A_8 = tpu.memref_slice %arg2[%add3A_7] : memref<1048576xi32, #tpu.memory_space<hbm>> -> memref<8192xi32, #tpu.memory_space<hbm>>
    %dma_start3A_9 = tpu.memref_slice %arg2[%add3A_7] : memref<1048576xi32, #tpu.memory_space<hbm>> -> memref<8192xi32, #tpu.memory_space<hbm>>
    tpu.enqueue_dma source(%dma_start3A_9 : memref<8192xi32, #tpu.memory_space<hbm>>) target(%arg12 : memref<8192xi32, #tpu.memory_space<vmem>>) target_semaphore(%arg20 : memref<!tpu.dma_semaphore, #tpu.memory_space<semaphore_mem>>)
    %dma_start3A_10 = tpu.memref_slice %arg3[%mul3A_2] : memref<1048576xi32, #tpu.memory_space<hbm>> -> memref<16384xi32, #tpu.memory_space<hbm>>
    %dma_start3A_11 = tpu.memref_slice %arg3[%mul3A_2] : memref<1048576xi32, #tpu.memory_space<hbm>> -> memref<16384xi32, #tpu.memory_space<hbm>>
    tpu.enqueue_dma source(%dma_start3A_11 : memref<16384xi32, #tpu.memory_space<hbm>>) target(%arg15 : memref<16384xi32, #tpu.memory_space<vmem>>) target_semaphore(%arg25 : memref<!tpu.dma_semaphore, #tpu.memory_space<semaphore_mem>>)
    %mul3A_12 = arith.constant 62464 : i32
    %mul3A_13 = arith.muli %arg1, %mul3A_12 : i32
    "tpu.region"() ({
      %run_scoped3A = tpu.sem_alloc : memref<!tpu.dma_semaphore, #tpu.memory_space<semaphore_mem>>
      %dma_start3A_208 = tpu.memref_slice %arg18[%mul3A_13] : memref<1000448xi32, #tpu.memory_space<vmem_shared>> -> memref<62464xi32, #tpu.memory_space<vmem_shared>>
      %dma_start3A_209 = tpu.memref_slice %arg5[%mul3A_13] : memref<1000000xi32, #tpu.memory_space<hbm>> -> memref<62464xi32, #tpu.memory_space<hbm>>
      tpu.enqueue_dma source(%dma_start3A_209 : memref<62464xi32, #tpu.memory_space<hbm>>) target(%dma_start3A_208 : memref<62464xi32, #tpu.memory_space<vmem_shared>>) target_semaphore(%run_scoped3A : memref<!tpu.dma_semaphore, #tpu.memory_space<semaphore_mem>>)
      %dma_wait3A_210 = tpu.memref_slice %arg18[%mul3A_13] : memref<1000448xi32, #tpu.memory_space<vmem_shared>> -> memref<62464xi32, #tpu.memory_space<vmem_shared>>
      %dma_wait3A_211 = tpu.memref_slice %arg5[%mul3A_13] : memref<1000000xi32, #tpu.memory_space<hbm>> -> memref<62464xi32, #tpu.memory_space<hbm>>
      tpu.wait_dma2 semaphore(%run_scoped3A : memref<!tpu.dma_semaphore, #tpu.memory_space<semaphore_mem>>) src(%dma_wait3A_211 : memref<62464xi32, #tpu.memory_space<hbm>>) dst(%dma_wait3A_210 : memref<62464xi32, #tpu.memory_space<vmem_shared>>)
      tpu.yield
    }) : () -> ()
    %eq3A = arith.constant 1 : i32
    %eq3A_14 = arith.cmpi eq, %arg1, %eq3A : i32
    %convert_element_type3A = arith.extui %eq3A_14 : i1 to i32
    %cond3A = arith.constant 0 : i32
    %cond3A_15 = arith.cmpi ne, %convert_element_type3A, %cond3A : i32
    scf.if %cond3A_15 {
      "tpu.region"() ({
        %run_scoped3A = tpu.sem_alloc : memref<!tpu.dma_semaphore, #tpu.memory_space<semaphore_mem>>
        %dma_start3A_208 = arith.constant 999424 : i32
        %dma_start3A_209 = tpu.memref_slice %arg18[%dma_start3A_208] : memref<1000448xi32, #tpu.memory_space<vmem_shared>> -> memref<640xi32, #tpu.memory_space<vmem_shared>>
        tpu.enqueue_dma source(%arg6 : memref<640xi32, #tpu.memory_space<hbm>>) target(%dma_start3A_209 : memref<640xi32, #tpu.memory_space<vmem_shared>>) target_semaphore(%run_scoped3A : memref<!tpu.dma_semaphore, #tpu.memory_space<semaphore_mem>>)
        %dma_wait3A_210 = arith.constant 999424 : i32
        %dma_wait3A_211 = tpu.memref_slice %arg18[%dma_wait3A_210] : memref<1000448xi32, #tpu.memory_space<vmem_shared>> -> memref<640xi32, #tpu.memory_space<vmem_shared>>
        tpu.wait_dma2 semaphore(%run_scoped3A : memref<!tpu.dma_semaphore, #tpu.memory_space<semaphore_mem>>) src(%arg6 : memref<640xi32, #tpu.memory_space<hbm>>) dst(%dma_wait3A_211 : memref<640xi32, #tpu.memory_space<vmem_shared>>)
        tpu.yield
      }) : () -> ()
    } else {
    }
    "tpu.region"() ({
      %run_scoped3A = tpu.sem_alloc : memref<!tpu.dma_semaphore, #tpu.memory_space<semaphore_mem>>
      tpu.enqueue_dma source(%arg7 : memref<1024xi32, #tpu.memory_space<hbm>>) target(%arg17 : memref<1024xi32, #tpu.memory_space<vmem>>) target_semaphore(%run_scoped3A : memref<!tpu.dma_semaphore, #tpu.memory_space<semaphore_mem>>)
      tpu.wait_dma2 semaphore(%run_scoped3A : memref<!tpu.dma_semaphore, #tpu.memory_space<semaphore_mem>>) src(%arg7 : memref<1024xi32, #tpu.memory_space<hbm>>) dst(%arg17 : memref<1024xi32, #tpu.memory_space<vmem>>)
      tpu.yield
    }) : () -> ()
    %barrier3A = arith.constant 0 : index
    tpu.barrier barrier_id(%barrier3A)
    %dma_wait3A = tpu.memref_slice %arg2[%add3A_4] : memref<1048576xi32, #tpu.memory_space<hbm>> -> memref<8192xi32, #tpu.memory_space<hbm>>
    %dma_wait3A_16 = tpu.memref_slice %arg2[%add3A_4] : memref<1048576xi32, #tpu.memory_space<hbm>> -> memref<8192xi32, #tpu.memory_space<hbm>>
    tpu.wait_dma2 semaphore(%arg19 : memref<!tpu.dma_semaphore, #tpu.memory_space<semaphore_mem>>) src(%dma_wait3A_16 : memref<8192xi32, #tpu.memory_space<hbm>>) dst(%arg11 : memref<8192xi32, #tpu.memory_space<vmem>>)
    %dma_start3A_17 = arith.constant 0 : i32
    %dma_start3A_18 = tpu.memref_slice %arg18[%dma_start3A_17] : memref<1000448xi32, #tpu.memory_space<vmem_shared>> -> memref<1000448xi32, #tpu.memory_space<vmem_shared>>
    tpu.enqueue_indirect_dma source(%dma_start3A_18 : memref<1000448xi32, #tpu.memory_space<vmem_shared>>) target(%arg13 : memref<8192xi32, #tpu.memory_space<vmem>>) offsets(%arg11 : memref<8192xi32, #tpu.memory_space<vmem>>) semaphore(%arg21 : memref<!tpu.dma_semaphore, #tpu.memory_space<semaphore_mem>>)
    %dma_wait3A_19 = tpu.memref_slice %arg3[%mul3A_2] : memref<1048576xi32, #tpu.memory_space<hbm>> -> memref<16384xi32, #tpu.memory_space<hbm>>
    %dma_wait3A_20 = tpu.memref_slice %arg3[%mul3A_2] : memref<1048576xi32, #tpu.memory_space<hbm>> -> memref<16384xi32, #tpu.memory_space<hbm>>
    tpu.wait_dma2 semaphore(%arg25 : memref<!tpu.dma_semaphore, #tpu.memory_space<semaphore_mem>>) src(%dma_wait3A_20 : memref<16384xi32, #tpu.memory_space<hbm>>) dst(%arg15 : memref<16384xi32, #tpu.memory_space<vmem>>)
    %dma_wait3A_21 = tpu.memref_slice %arg2[%add3A_7] : memref<1048576xi32, #tpu.memory_space<hbm>> -> memref<8192xi32, #tpu.memory_space<hbm>>
    %dma_wait3A_22 = tpu.memref_slice %arg2[%add3A_7] : memref<1048576xi32, #tpu.memory_space<hbm>> -> memref<8192xi32, #tpu.memory_space<hbm>>
    tpu.wait_dma2 semaphore(%arg20 : memref<!tpu.dma_semaphore, #tpu.memory_space<semaphore_mem>>) src(%dma_wait3A_22 : memref<8192xi32, #tpu.memory_space<hbm>>) dst(%arg12 : memref<8192xi32, #tpu.memory_space<vmem>>)
    %dma_start3A_23 = arith.constant 0 : i32
    %dma_start3A_24 = tpu.memref_slice %arg18[%dma_start3A_23] : memref<1000448xi32, #tpu.memory_space<vmem_shared>> -> memref<1000448xi32, #tpu.memory_space<vmem_shared>>
    tpu.enqueue_indirect_dma source(%dma_start3A_24 : memref<1000448xi32, #tpu.memory_space<vmem_shared>>) target(%arg14 : memref<8192xi32, #tpu.memory_space<vmem>>) offsets(%arg12 : memref<8192xi32, #tpu.memory_space<vmem>>) semaphore(%arg22 : memref<!tpu.dma_semaphore, #tpu.memory_space<semaphore_mem>>)
    %scan3A = arith.constant 0 : i32
    %scan3A_25 = arith.constant 0 : i32
    %scan3A_26 = arith.constant 64 : i32
    %scan3A_27 = arith.addi %scan3A_25, %scan3A_26 : i32
    %scan3A_28 = arith.constant 1 : i32
    %scan3A_29 = scf.for %scan3A_208 = %scan3A_25 to %scan3A_27 step %scan3A_28 iter_args(%scan3A_209 = %scan3A) -> (i32)  : i32 {
      %mul3A_210 = arith.constant 4 : i32
      %mul3A_211 = arith.muli %scan3A_208, %mul3A_210 : i32
      %add3A_212 = arith.constant 0 : i32
      %add3A_213 = arith.addi %mul3A_211, %add3A_212 : i32
      %mul3A_214 = arith.constant 16 : i32
      %mul3A_215 = arith.muli %add3A_213, %mul3A_214 : i32
      %add3A_216 = arith.constant 0 : i32
      %add3A_217 = arith.addi %add3A_216, %mul3A_215 : i32
      %get3A = arith.index_cast %add3A_217 : i32 to index
      %get3A_218 = tpu.vector_load %arg15[%get3A] {strides = array<i32>} : memref<16384xi32, #tpu.memory_space<vmem>>, vector<16xi32>,
      %gather3A = tpu.vector_load_idx %arg17[%get3A_218] : memref<1024xi32, #tpu.memory_space<vmem>>[vector<16xi32>], vector<16xi32>,
      %swap3A = arith.index_cast %add3A_217 : i32 to index
      %swap3A_219 = tpu.vector_load %arg16[%swap3A] {strides = array<i32>} : memref<16384xi32, #tpu.memory_space<vmem>>, vector<16xi32>,
      tpu.vector_store %arg16[%swap3A], %gather3A {strides = array<i32>} : memref<16384xi32, #tpu.memory_space<vmem>>, vector<16xi32>,
      %mul3A_220 = arith.constant 4 : i32
      %mul3A_221 = arith.muli %scan3A_208, %mul3A_220 : i32
      %add3A_222 = arith.constant 1 : i32
      %add3A_223 = arith.addi %mul3A_221, %add3A_222 : i32
      %mul3A_224 = arith.constant 16 : i32
      %mul3A_225 = arith.muli %add3A_223, %mul3A_224 : i32
      %add3A_226 = arith.constant 0 : i32
      %add3A_227 = arith.addi %add3A_226, %mul3A_225 : i32
      %get3A_228 = arith.index_cast %add3A_227 : i32 to index
      %get3A_229 = tpu.vector_load %arg15[%get3A_228] {strides = array<i32>} : memref<16384xi32, #tpu.memory_space<vmem>>, vector<16xi32>,
      %gather3A_230 = tpu.vector_load_idx %arg17[%get3A_229] : memref<1024xi32, #tpu.memory_space<vmem>>[vector<16xi32>], vector<16xi32>,
      %swap3A_231 = arith.index_cast %add3A_227 : i32 to index
      %swap3A_232 = tpu.vector_load %arg16[%swap3A_231] {strides = array<i32>} : memref<16384xi32, #tpu.memory_space<vmem>>, vector<16xi32>,
      tpu.vector_store %arg16[%swap3A_231], %gather3A_230 {strides = array<i32>} : memref<16384xi32, #tpu.memory_space<vmem>>, vector<16xi32>,
      %mul3A_233 = arith.constant 4 : i32
      %mul3A_234 = arith.muli %scan3A_208, %mul3A_233 : i32
      %add3A_235 = arith.constant 2 : i32
      %add3A_236 = arith.addi %mul3A_234, %add3A_235 : i32
      %mul3A_237 = arith.constant 16 : i32
      %mul3A_238 = arith.muli %add3A_236, %mul3A_237 : i32
      %add3A_239 = arith.constant 0 : i32
      %add3A_240 = arith.addi %add3A_239, %mul3A_238 : i32
      %get3A_241 = arith.index_cast %add3A_240 : i32 to index
      %get3A_242 = tpu.vector_load %arg15[%get3A_241] {strides = array<i32>} : memref<16384xi32, #tpu.memory_space<vmem>>, vector<16xi32>,
      %gather3A_243 = tpu.vector_load_idx %arg17[%get3A_242] : memref<1024xi32, #tpu.memory_space<vmem>>[vector<16xi32>], vector<16xi32>,
      %swap3A_244 = arith.index_cast %add3A_240 : i32 to index
      %swap3A_245 = tpu.vector_load %arg16[%swap3A_244] {strides = array<i32>} : memref<16384xi32, #tpu.memory_space<vmem>>, vector<16xi32>,
      tpu.vector_store %arg16[%swap3A_244], %gather3A_243 {strides = array<i32>} : memref<16384xi32, #tpu.memory_space<vmem>>, vector<16xi32>,
      %mul3A_246 = arith.constant 4 : i32
      %mul3A_247 = arith.muli %scan3A_208, %mul3A_246 : i32
      %add3A_248 = arith.constant 3 : i32
      %add3A_249 = arith.addi %mul3A_247, %add3A_248 : i32
      %mul3A_250 = arith.constant 16 : i32
      %mul3A_251 = arith.muli %add3A_249, %mul3A_250 : i32
      %add3A_252 = arith.constant 0 : i32
      %add3A_253 = arith.addi %add3A_252, %mul3A_251 : i32
      %get3A_254 = arith.index_cast %add3A_253 : i32 to index
      %get3A_255 = tpu.vector_load %arg15[%get3A_254] {strides = array<i32>} : memref<16384xi32, #tpu.memory_space<vmem>>, vector<16xi32>,
      %gather3A_256 = tpu.vector_load_idx %arg17[%get3A_255] : memref<1024xi32, #tpu.memory_space<vmem>>[vector<16xi32>], vector<16xi32>,
      %swap3A_257 = arith.index_cast %add3A_253 : i32 to index
      %swap3A_258 = tpu.vector_load %arg16[%swap3A_257] {strides = array<i32>} : memref<16384xi32, #tpu.memory_space<vmem>>, vector<16xi32>,
      tpu.vector_store %arg16[%swap3A_257], %gather3A_256 {strides = array<i32>} : memref<16384xi32, #tpu.memory_space<vmem>>, vector<16xi32>,
      %scan3A_259 = arith.constant 0 : i32
      scf.yield %scan3A_259 : i32
    }
    %scan3A_30 = arith.constant 64 : i32
    %dma_wait3A_31 = arith.constant 0 : i32
    %dma_wait3A_32 = tpu.memref_slice %arg18[%dma_wait3A_31] : memref<1000448xi32, #tpu.memory_space<vmem_shared>> -> memref<1000448xi32, #tpu.memory_space<vmem_shared>>
    tpu.wait_indirect_dma semaphore(%arg21 : memref<!tpu.dma_semaphore, #tpu.memory_space<semaphore_mem>>) src(%dma_wait3A_32 : memref<1000448xi32, #tpu.memory_space<vmem_shared>>) dst(%arg13 : memref<8192xi32, #tpu.memory_space<vmem>>)
    %add3A_33 = arith.constant 0 : i32
    %add3A_34 = arith.addi %mul3A_2, %add3A_33 : i32
    %dma_start3A_35 = tpu.memref_slice %arg8[%add3A_34] : memref<1048576xi32, #tpu.memory_space<hbm>> -> memref<8192xi32, #tpu.memory_space<hbm>>
    %dma_start3A_36 = tpu.memref_slice %arg8[%add3A_34] : memref<1048576xi32, #tpu.memory_space<hbm>> -> memref<8192xi32, #tpu.memory_space<hbm>>
    tpu.enqueue_dma source(%arg13 : memref<8192xi32, #tpu.memory_space<vmem>>) target(%dma_start3A_36 : memref<8192xi32, #tpu.memory_space<hbm>>) target_semaphore(%arg23 : memref<!tpu.dma_semaphore, #tpu.memory_space<semaphore_mem>>)
    %add3A_37 = arith.constant 16384 : i32
    %add3A_38 = arith.addi %mul3A_2, %add3A_37 : i32
    %dma_start3A_39 = tpu.memref_slice %arg2[%add3A_38] : memref<1048576xi32, #tpu.memory_space<hbm>> -> memref<8192xi32, #tpu.memory_space<hbm>>
    %dma_start3A_40 = tpu.memref_slice %arg2[%add3A_38] : memref<1048576xi32, #tpu.memory_space<hbm>> -> memref<8192xi32, #tpu.memory_space<hbm>>
    tpu.enqueue_dma source(%dma_start3A_40 : memref<8192xi32, #tpu.memory_space<hbm>>) target(%arg11 : memref<8192xi32, #tpu.memory_space<vmem>>) target_semaphore(%arg19 : memref<!tpu.dma_semaphore, #tpu.memory_space<semaphore_mem>>)
    %dma_wait3A_41 = tpu.memref_slice %arg2[%add3A_38] : memref<1048576xi32, #tpu.memory_space<hbm>> -> memref<8192xi32, #tpu.memory_space<hbm>>
    %dma_wait3A_42 = tpu.memref_slice %arg2[%add3A_38] : memref<1048576xi32, #tpu.memory_space<hbm>> -> memref<8192xi32, #tpu.memory_space<hbm>>
    tpu.wait_dma2 semaphore(%arg19 : memref<!tpu.dma_semaphore, #tpu.memory_space<semaphore_mem>>) src(%dma_wait3A_42 : memref<8192xi32, #tpu.memory_space<hbm>>) dst(%arg11 : memref<8192xi32, #tpu.memory_space<vmem>>)
    %dma_wait3A_43 = tpu.memref_slice %arg8[%add3A_34] : memref<1048576xi32, #tpu.memory_space<hbm>> -> memref<8192xi32, #tpu.memory_space<hbm>>
    %dma_wait3A_44 = tpu.memref_slice %arg8[%add3A_34] : memref<1048576xi32, #tpu.memory_space<hbm>> -> memref<8192xi32, #tpu.memory_space<hbm>>
    tpu.wait_dma2 semaphore(%arg23 : memref<!tpu.dma_semaphore, #tpu.memory_space<semaphore_mem>>) src(%arg13 : memref<8192xi32, #tpu.memory_space<vmem>>) dst(%dma_wait3A_44 : memref<8192xi32, #tpu.memory_space<hbm>>)
    %dma_start3A_45 = arith.constant 0 : i32
    %dma_start3A_46 = tpu.memref_slice %arg18[%dma_start3A_45] : memref<1000448xi32, #tpu.memory_space<vmem_shared>> -> memref<1000448xi32, #tpu.memory_space<vmem_shared>>
    tpu.enqueue_indirect_dma source(%dma_start3A_46 : memref<1000448xi32, #tpu.memory_space<vmem_shared>>) target(%arg13 : memref<8192xi32, #tpu.memory_space<vmem>>) offsets(%arg11 : memref<8192xi32, #tpu.memory_space<vmem>>) semaphore(%arg21 : memref<!tpu.dma_semaphore, #tpu.memory_space<semaphore_mem>>)
    %scan3A_47 = arith.constant 0 : i32
    %scan3A_48 = arith.constant 0 : i32
    %scan3A_49 = arith.constant 64 : i32
    %scan3A_50 = arith.addi %scan3A_48, %scan3A_49 : i32
    %scan3A_51 = arith.constant 1 : i32
    %scan3A_52 = scf.for %scan3A_208 = %scan3A_48 to %scan3A_50 step %scan3A_51 iter_args(%scan3A_209 = %scan3A_47) -> (i32)  : i32 {
      %mul3A_210 = arith.constant 4 : i32
      %mul3A_211 = arith.muli %scan3A_208, %mul3A_210 : i32
      %add3A_212 = arith.constant 0 : i32
      %add3A_213 = arith.addi %mul3A_211, %add3A_212 : i32
      %mul3A_214 = arith.constant 16 : i32
      %mul3A_215 = arith.muli %add3A_213, %mul3A_214 : i32
      %add3A_216 = arith.constant 4096 : i32
      %add3A_217 = arith.addi %add3A_216, %mul3A_215 : i32
      %get3A = arith.index_cast %add3A_217 : i32 to index
      %get3A_218 = tpu.vector_load %arg15[%get3A] {strides = array<i32>} : memref<16384xi32, #tpu.memory_space<vmem>>, vector<16xi32>,
      %gather3A = tpu.vector_load_idx %arg17[%get3A_218] : memref<1024xi32, #tpu.memory_space<vmem>>[vector<16xi32>], vector<16xi32>,
      %swap3A = arith.index_cast %add3A_217 : i32 to index
      %swap3A_219 = tpu.vector_load %arg16[%swap3A] {strides = array<i32>} : memref<16384xi32, #tpu.memory_space<vmem>>, vector<16xi32>,
      tpu.vector_store %arg16[%swap3A], %gather3A {strides = array<i32>} : memref<16384xi32, #tpu.memory_space<vmem>>, vector<16xi32>,
      %mul3A_220 = arith.constant 4 : i32
      %mul3A_221 = arith.muli %scan3A_208, %mul3A_220 : i32
      %add3A_222 = arith.constant 1 : i32
      %add3A_223 = arith.addi %mul3A_221, %add3A_222 : i32
      %mul3A_224 = arith.constant 16 : i32
      %mul3A_225 = arith.muli %add3A_223, %mul3A_224 : i32
      %add3A_226 = arith.constant 4096 : i32
      %add3A_227 = arith.addi %add3A_226, %mul3A_225 : i32
      %get3A_228 = arith.index_cast %add3A_227 : i32 to index
      %get3A_229 = tpu.vector_load %arg15[%get3A_228] {strides = array<i32>} : memref<16384xi32, #tpu.memory_space<vmem>>, vector<16xi32>,
      %gather3A_230 = tpu.vector_load_idx %arg17[%get3A_229] : memref<1024xi32, #tpu.memory_space<vmem>>[vector<16xi32>], vector<16xi32>,
      %swap3A_231 = arith.index_cast %add3A_227 : i32 to index
      %swap3A_232 = tpu.vector_load %arg16[%swap3A_231] {strides = array<i32>} : memref<16384xi32, #tpu.memory_space<vmem>>, vector<16xi32>,
      tpu.vector_store %arg16[%swap3A_231], %gather3A_230 {strides = array<i32>} : memref<16384xi32, #tpu.memory_space<vmem>>, vector<16xi32>,
      %mul3A_233 = arith.constant 4 : i32
      %mul3A_234 = arith.muli %scan3A_208, %mul3A_233 : i32
      %add3A_235 = arith.constant 2 : i32
      %add3A_236 = arith.addi %mul3A_234, %add3A_235 : i32
      %mul3A_237 = arith.constant 16 : i32
      %mul3A_238 = arith.muli %add3A_236, %mul3A_237 : i32
      %add3A_239 = arith.constant 4096 : i32
      %add3A_240 = arith.addi %add3A_239, %mul3A_238 : i32
      %get3A_241 = arith.index_cast %add3A_240 : i32 to index
      %get3A_242 = tpu.vector_load %arg15[%get3A_241] {strides = array<i32>} : memref<16384xi32, #tpu.memory_space<vmem>>, vector<16xi32>,
      %gather3A_243 = tpu.vector_load_idx %arg17[%get3A_242] : memref<1024xi32, #tpu.memory_space<vmem>>[vector<16xi32>], vector<16xi32>,
      %swap3A_244 = arith.index_cast %add3A_240 : i32 to index
      %swap3A_245 = tpu.vector_load %arg16[%swap3A_244] {strides = array<i32>} : memref<16384xi32, #tpu.memory_space<vmem>>, vector<16xi32>,
      tpu.vector_store %arg16[%swap3A_244], %gather3A_243 {strides = array<i32>} : memref<16384xi32, #tpu.memory_space<vmem>>, vector<16xi32>,
      %mul3A_246 = arith.constant 4 : i32
      %mul3A_247 = arith.muli %scan3A_208, %mul3A_246 : i32
      %add3A_248 = arith.constant 3 : i32
      %add3A_249 = arith.addi %mul3A_247, %add3A_248 : i32
      %mul3A_250 = arith.constant 16 : i32
      %mul3A_251 = arith.muli %add3A_249, %mul3A_250 : i32
      %add3A_252 = arith.constant 4096 : i32
      %add3A_253 = arith.addi %add3A_252, %mul3A_251 : i32
      %get3A_254 = arith.index_cast %add3A_253 : i32 to index
      %get3A_255 = tpu.vector_load %arg15[%get3A_254] {strides = array<i32>} : memref<16384xi32, #tpu.memory_space<vmem>>, vector<16xi32>,
      %gather3A_256 = tpu.vector_load_idx %arg17[%get3A_255] : memref<1024xi32, #tpu.memory_space<vmem>>[vector<16xi32>], vector<16xi32>,
      %swap3A_257 = arith.index_cast %add3A_253 : i32 to index
      %swap3A_258 = tpu.vector_load %arg16[%swap3A_257] {strides = array<i32>} : memref<16384xi32, #tpu.memory_space<vmem>>, vector<16xi32>,
      tpu.vector_store %arg16[%swap3A_257], %gather3A_256 {strides = array<i32>} : memref<16384xi32, #tpu.memory_space<vmem>>, vector<16xi32>,
      %scan3A_259 = arith.constant 0 : i32
      scf.yield %scan3A_259 : i32
    }
    %scan3A_53 = arith.constant 64 : i32
    %dma_wait3A_54 = arith.constant 0 : i32
    %dma_wait3A_55 = tpu.memref_slice %arg18[%dma_wait3A_54] : memref<1000448xi32, #tpu.memory_space<vmem_shared>> -> memref<1000448xi32, #tpu.memory_space<vmem_shared>>
    tpu.wait_indirect_dma semaphore(%arg22 : memref<!tpu.dma_semaphore, #tpu.memory_space<semaphore_mem>>) src(%dma_wait3A_55 : memref<1000448xi32, #tpu.memory_space<vmem_shared>>) dst(%arg14 : memref<8192xi32, #tpu.memory_space<vmem>>)
    %add3A_56 = arith.constant 8192 : i32
    %add3A_57 = arith.addi %mul3A_2, %add3A_56 : i32
    %dma_start3A_58 = tpu.memref_slice %arg8[%add3A_57] : memref<1048576xi32, #tpu.memory_space<hbm>> -> memref<8192xi32, #tpu.memory_space<hbm>>
    %dma_start3A_59 = tpu.memref_slice %arg8[%add3A_57] : memref<1048576xi32, #tpu.memory_space<hbm>> -> memref<8192xi32, #tpu.memory_space<hbm>>
    tpu.enqueue_dma source(%arg14 : memref<8192xi32, #tpu.memory_space<vmem>>) target(%dma_start3A_59 : memref<8192xi32, #tpu.memory_space<hbm>>) target_semaphore(%arg24 : memref<!tpu.dma_semaphore, #tpu.memory_space<semaphore_mem>>)
    %add3A_60 = arith.constant 24576 : i32
    %add3A_61 = arith.addi %mul3A_2, %add3A_60 : i32
    %dma_start3A_62 = tpu.memref_slice %arg2[%add3A_61] : memref<1048576xi32, #tpu.memory_space<hbm>> -> memref<8192xi32, #tpu.memory_space<hbm>>
    %dma_start3A_63 = tpu.memref_slice %arg2[%add3A_61] : memref<1048576xi32, #tpu.memory_space<hbm>> -> memref<8192xi32, #tpu.memory_space<hbm>>
    tpu.enqueue_dma source(%dma_start3A_63 : memref<8192xi32, #tpu.memory_space<hbm>>) target(%arg12 : memref<8192xi32, #tpu.memory_space<vmem>>) target_semaphore(%arg20 : memref<!tpu.dma_semaphore, #tpu.memory_space<semaphore_mem>>)
    %dma_wait3A_64 = tpu.memref_slice %arg2[%add3A_61] : memref<1048576xi32, #tpu.memory_space<hbm>> -> memref<8192xi32, #tpu.memory_space<hbm>>
    %dma_wait3A_65 = tpu.memref_slice %arg2[%add3A_61] : memref<1048576xi32, #tpu.memory_space<hbm>> -> memref<8192xi32, #tpu.memory_space<hbm>>
    tpu.wait_dma2 semaphore(%arg20 : memref<!tpu.dma_semaphore, #tpu.memory_space<semaphore_mem>>) src(%dma_wait3A_65 : memref<8192xi32, #tpu.memory_space<hbm>>) dst(%arg12 : memref<8192xi32, #tpu.memory_space<vmem>>)
    %dma_wait3A_66 = tpu.memref_slice %arg8[%add3A_57] : memref<1048576xi32, #tpu.memory_space<hbm>> -> memref<8192xi32, #tpu.memory_space<hbm>>
    %dma_wait3A_67 = tpu.memref_slice %arg8[%add3A_57] : memref<1048576xi32, #tpu.memory_space<hbm>> -> memref<8192xi32, #tpu.memory_space<hbm>>
    tpu.wait_dma2 semaphore(%arg24 : memref<!tpu.dma_semaphore, #tpu.memory_space<semaphore_mem>>) src(%arg14 : memref<8192xi32, #tpu.memory_space<vmem>>) dst(%dma_wait3A_67 : memref<8192xi32, #tpu.memory_space<hbm>>)
    %dma_start3A_68 = arith.constant 0 : i32
    %dma_start3A_69 = tpu.memref_slice %arg18[%dma_start3A_68] : memref<1000448xi32, #tpu.memory_space<vmem_shared>> -> memref<1000448xi32, #tpu.memory_space<vmem_shared>>
    tpu.enqueue_indirect_dma source(%dma_start3A_69 : memref<1000448xi32, #tpu.memory_space<vmem_shared>>) target(%arg14 : memref<8192xi32, #tpu.memory_space<vmem>>) offsets(%arg12 : memref<8192xi32, #tpu.memory_space<vmem>>) semaphore(%arg22 : memref<!tpu.dma_semaphore, #tpu.memory_space<semaphore_mem>>)
    %scan3A_70 = arith.constant 0 : i32
    %scan3A_71 = arith.constant 0 : i32
    %scan3A_72 = arith.constant 64 : i32
    %scan3A_73 = arith.addi %scan3A_71, %scan3A_72 : i32
    %scan3A_74 = arith.constant 1 : i32
    %scan3A_75 = scf.for %scan3A_208 = %scan3A_71 to %scan3A_73 step %scan3A_74 iter_args(%scan3A_209 = %scan3A_70) -> (i32)  : i32 {
      %mul3A_210 = arith.constant 4 : i32
      %mul3A_211 = arith.muli %scan3A_208, %mul3A_210 : i32
      %add3A_212 = arith.constant 0 : i32
      %add3A_213 = arith.addi %mul3A_211, %add3A_212 : i32
      %mul3A_214 = arith.constant 16 : i32
      %mul3A_215 = arith.muli %add3A_213, %mul3A_214 : i32
      %add3A_216 = arith.constant 8192 : i32
      %add3A_217 = arith.addi %add3A_216, %mul3A_215 : i32
      %get3A = arith.index_cast %add3A_217 : i32 to index
      %get3A_218 = tpu.vector_load %arg15[%get3A] {strides = array<i32>} : memref<16384xi32, #tpu.memory_space<vmem>>, vector<16xi32>,
      %gather3A = tpu.vector_load_idx %arg17[%get3A_218] : memref<1024xi32, #tpu.memory_space<vmem>>[vector<16xi32>], vector<16xi32>,
      %swap3A = arith.index_cast %add3A_217 : i32 to index
      %swap3A_219 = tpu.vector_load %arg16[%swap3A] {strides = array<i32>} : memref<16384xi32, #tpu.memory_space<vmem>>, vector<16xi32>,
      tpu.vector_store %arg16[%swap3A], %gather3A {strides = array<i32>} : memref<16384xi32, #tpu.memory_space<vmem>>, vector<16xi32>,
      %mul3A_220 = arith.constant 4 : i32
      %mul3A_221 = arith.muli %scan3A_208, %mul3A_220 : i32
      %add3A_222 = arith.constant 1 : i32
      %add3A_223 = arith.addi %mul3A_221, %add3A_222 : i32
      %mul3A_224 = arith.constant 16 : i32
      %mul3A_225 = arith.muli %add3A_223, %mul3A_224 : i32
      %add3A_226 = arith.constant 8192 : i32
      %add3A_227 = arith.addi %add3A_226, %mul3A_225 : i32
      %get3A_228 = arith.index_cast %add3A_227 : i32 to index
      %get3A_229 = tpu.vector_load %arg15[%get3A_228] {strides = array<i32>} : memref<16384xi32, #tpu.memory_space<vmem>>, vector<16xi32>,
      %gather3A_230 = tpu.vector_load_idx %arg17[%get3A_229] : memref<1024xi32, #tpu.memory_space<vmem>>[vector<16xi32>], vector<16xi32>,
      %swap3A_231 = arith.index_cast %add3A_227 : i32 to index
      %swap3A_232 = tpu.vector_load %arg16[%swap3A_231] {strides = array<i32>} : memref<16384xi32, #tpu.memory_space<vmem>>, vector<16xi32>,
      tpu.vector_store %arg16[%swap3A_231], %gather3A_230 {strides = array<i32>} : memref<16384xi32, #tpu.memory_space<vmem>>, vector<16xi32>,
      %mul3A_233 = arith.constant 4 : i32
      %mul3A_234 = arith.muli %scan3A_208, %mul3A_233 : i32
      %add3A_235 = arith.constant 2 : i32
      %add3A_236 = arith.addi %mul3A_234, %add3A_235 : i32
      %mul3A_237 = arith.constant 16 : i32
      %mul3A_238 = arith.muli %add3A_236, %mul3A_237 : i32
      %add3A_239 = arith.constant 8192 : i32
      %add3A_240 = arith.addi %add3A_239, %mul3A_238 : i32
      %get3A_241 = arith.index_cast %add3A_240 : i32 to index
      %get3A_242 = tpu.vector_load %arg15[%get3A_241] {strides = array<i32>} : memref<16384xi32, #tpu.memory_space<vmem>>, vector<16xi32>,
      %gather3A_243 = tpu.vector_load_idx %arg17[%get3A_242] : memref<1024xi32, #tpu.memory_space<vmem>>[vector<16xi32>], vector<16xi32>,
      %swap3A_244 = arith.index_cast %add3A_240 : i32 to index
      %swap3A_245 = tpu.vector_load %arg16[%swap3A_244] {strides = array<i32>} : memref<16384xi32, #tpu.memory_space<vmem>>, vector<16xi32>,
      tpu.vector_store %arg16[%swap3A_244], %gather3A_243 {strides = array<i32>} : memref<16384xi32, #tpu.memory_space<vmem>>, vector<16xi32>,
      %mul3A_246 = arith.constant 4 : i32
      %mul3A_247 = arith.muli %scan3A_208, %mul3A_246 : i32
      %add3A_248 = arith.constant 3 : i32
      %add3A_249 = arith.addi %mul3A_247, %add3A_248 : i32
      %mul3A_250 = arith.constant 16 : i32
      %mul3A_251 = arith.muli %add3A_249, %mul3A_250 : i32
      %add3A_252 = arith.constant 8192 : i32
      %add3A_253 = arith.addi %add3A_252, %mul3A_251 : i32
      %get3A_254 = arith.index_cast %add3A_253 : i32 to index
      %get3A_255 = tpu.vector_load %arg15[%get3A_254] {strides = array<i32>} : memref<16384xi32, #tpu.memory_space<vmem>>, vector<16xi32>,
      %gather3A_256 = tpu.vector_load_idx %arg17[%get3A_255] : memref<1024xi32, #tpu.memory_space<vmem>>[vector<16xi32>], vector<16xi32>,
      %swap3A_257 = arith.index_cast %add3A_253 : i32 to index
      %swap3A_258 = tpu.vector_load %arg16[%swap3A_257] {strides = array<i32>} : memref<16384xi32, #tpu.memory_space<vmem>>, vector<16xi32>,
      tpu.vector_store %arg16[%swap3A_257], %gather3A_256 {strides = array<i32>} : memref<16384xi32, #tpu.memory_space<vmem>>, vector<16xi32>,
      %scan3A_259 = arith.constant 0 : i32
      scf.yield %scan3A_259 : i32
    }
    %scan3A_76 = arith.constant 64 : i32
    %dma_wait3A_77 = arith.constant 0 : i32
    %dma_wait3A_78 = tpu.memref_slice %arg18[%dma_wait3A_77] : memref<1000448xi32, #tpu.memory_space<vmem_shared>> -> memref<1000448xi32, #tpu.memory_space<vmem_shared>>
    tpu.wait_indirect_dma semaphore(%arg21 : memref<!tpu.dma_semaphore, #tpu.memory_space<semaphore_mem>>) src(%dma_wait3A_78 : memref<1000448xi32, #tpu.memory_space<vmem_shared>>) dst(%arg13 : memref<8192xi32, #tpu.memory_space<vmem>>)
    %add3A_79 = arith.constant 16384 : i32
    %add3A_80 = arith.addi %mul3A_2, %add3A_79 : i32
    %dma_start3A_81 = tpu.memref_slice %arg8[%add3A_80] : memref<1048576xi32, #tpu.memory_space<hbm>> -> memref<8192xi32, #tpu.memory_space<hbm>>
    %dma_start3A_82 = tpu.memref_slice %arg8[%add3A_80] : memref<1048576xi32, #tpu.memory_space<hbm>> -> memref<8192xi32, #tpu.memory_space<hbm>>
    tpu.enqueue_dma source(%arg13 : memref<8192xi32, #tpu.memory_space<vmem>>) target(%dma_start3A_82 : memref<8192xi32, #tpu.memory_space<hbm>>) target_semaphore(%arg23 : memref<!tpu.dma_semaphore, #tpu.memory_space<semaphore_mem>>)
    %add3A_83 = arith.constant 0 : i32
    %add3A_84 = arith.addi %mul3A_2, %add3A_83 : i32
    %dma_start3A_85 = tpu.memref_slice %arg4[%add3A_84] : memref<1048576xi32, #tpu.memory_space<hbm>> -> memref<8192xi32, #tpu.memory_space<hbm>>
    %dma_start3A_86 = tpu.memref_slice %arg4[%add3A_84] : memref<1048576xi32, #tpu.memory_space<hbm>> -> memref<8192xi32, #tpu.memory_space<hbm>>
    tpu.enqueue_dma source(%dma_start3A_86 : memref<8192xi32, #tpu.memory_space<hbm>>) target(%arg11 : memref<8192xi32, #tpu.memory_space<vmem>>) target_semaphore(%arg19 : memref<!tpu.dma_semaphore, #tpu.memory_space<semaphore_mem>>)
    %dma_wait3A_87 = tpu.memref_slice %arg4[%add3A_84] : memref<1048576xi32, #tpu.memory_space<hbm>> -> memref<8192xi32, #tpu.memory_space<hbm>>
    %dma_wait3A_88 = tpu.memref_slice %arg4[%add3A_84] : memref<1048576xi32, #tpu.memory_space<hbm>> -> memref<8192xi32, #tpu.memory_space<hbm>>
    tpu.wait_dma2 semaphore(%arg19 : memref<!tpu.dma_semaphore, #tpu.memory_space<semaphore_mem>>) src(%dma_wait3A_88 : memref<8192xi32, #tpu.memory_space<hbm>>) dst(%arg11 : memref<8192xi32, #tpu.memory_space<vmem>>)
    %dma_wait3A_89 = tpu.memref_slice %arg8[%add3A_80] : memref<1048576xi32, #tpu.memory_space<hbm>> -> memref<8192xi32, #tpu.memory_space<hbm>>
    %dma_wait3A_90 = tpu.memref_slice %arg8[%add3A_80] : memref<1048576xi32, #tpu.memory_space<hbm>> -> memref<8192xi32, #tpu.memory_space<hbm>>
    tpu.wait_dma2 semaphore(%arg23 : memref<!tpu.dma_semaphore, #tpu.memory_space<semaphore_mem>>) src(%arg13 : memref<8192xi32, #tpu.memory_space<vmem>>) dst(%dma_wait3A_90 : memref<8192xi32, #tpu.memory_space<hbm>>)
    %dma_start3A_91 = arith.constant 0 : i32
    %dma_start3A_92 = tpu.memref_slice %arg18[%dma_start3A_91] : memref<1000448xi32, #tpu.memory_space<vmem_shared>> -> memref<1000448xi32, #tpu.memory_space<vmem_shared>>
    tpu.enqueue_indirect_dma source(%dma_start3A_92 : memref<1000448xi32, #tpu.memory_space<vmem_shared>>) target(%arg13 : memref<8192xi32, #tpu.memory_space<vmem>>) offsets(%arg11 : memref<8192xi32, #tpu.memory_space<vmem>>) semaphore(%arg21 : memref<!tpu.dma_semaphore, #tpu.memory_space<semaphore_mem>>)
    %scan3A_93 = arith.constant 0 : i32
    %scan3A_94 = arith.constant 0 : i32
    %scan3A_95 = arith.constant 64 : i32
    %scan3A_96 = arith.addi %scan3A_94, %scan3A_95 : i32
    %scan3A_97 = arith.constant 1 : i32
    %scan3A_98 = scf.for %scan3A_208 = %scan3A_94 to %scan3A_96 step %scan3A_97 iter_args(%scan3A_209 = %scan3A_93) -> (i32)  : i32 {
      %mul3A_210 = arith.constant 4 : i32
      %mul3A_211 = arith.muli %scan3A_208, %mul3A_210 : i32
      %add3A_212 = arith.constant 0 : i32
      %add3A_213 = arith.addi %mul3A_211, %add3A_212 : i32
      %mul3A_214 = arith.constant 16 : i32
      %mul3A_215 = arith.muli %add3A_213, %mul3A_214 : i32
      %add3A_216 = arith.constant 12288 : i32
      %add3A_217 = arith.addi %add3A_216, %mul3A_215 : i32
      %get3A = arith.index_cast %add3A_217 : i32 to index
      %get3A_218 = tpu.vector_load %arg15[%get3A] {strides = array<i32>} : memref<16384xi32, #tpu.memory_space<vmem>>, vector<16xi32>,
      %gather3A = tpu.vector_load_idx %arg17[%get3A_218] : memref<1024xi32, #tpu.memory_space<vmem>>[vector<16xi32>], vector<16xi32>,
      %swap3A = arith.index_cast %add3A_217 : i32 to index
      %swap3A_219 = tpu.vector_load %arg16[%swap3A] {strides = array<i32>} : memref<16384xi32, #tpu.memory_space<vmem>>, vector<16xi32>,
      tpu.vector_store %arg16[%swap3A], %gather3A {strides = array<i32>} : memref<16384xi32, #tpu.memory_space<vmem>>, vector<16xi32>,
      %mul3A_220 = arith.constant 4 : i32
      %mul3A_221 = arith.muli %scan3A_208, %mul3A_220 : i32
      %add3A_222 = arith.constant 1 : i32
      %add3A_223 = arith.addi %mul3A_221, %add3A_222 : i32
      %mul3A_224 = arith.constant 16 : i32
      %mul3A_225 = arith.muli %add3A_223, %mul3A_224 : i32
      %add3A_226 = arith.constant 12288 : i32
      %add3A_227 = arith.addi %add3A_226, %mul3A_225 : i32
      %get3A_228 = arith.index_cast %add3A_227 : i32 to index
      %get3A_229 = tpu.vector_load %arg15[%get3A_228] {strides = array<i32>} : memref<16384xi32, #tpu.memory_space<vmem>>, vector<16xi32>,
      %gather3A_230 = tpu.vector_load_idx %arg17[%get3A_229] : memref<1024xi32, #tpu.memory_space<vmem>>[vector<16xi32>], vector<16xi32>,
      %swap3A_231 = arith.index_cast %add3A_227 : i32 to index
      %swap3A_232 = tpu.vector_load %arg16[%swap3A_231] {strides = array<i32>} : memref<16384xi32, #tpu.memory_space<vmem>>, vector<16xi32>,
      tpu.vector_store %arg16[%swap3A_231], %gather3A_230 {strides = array<i32>} : memref<16384xi32, #tpu.memory_space<vmem>>, vector<16xi32>,
      %mul3A_233 = arith.constant 4 : i32
      %mul3A_234 = arith.muli %scan3A_208, %mul3A_233 : i32
      %add3A_235 = arith.constant 2 : i32
      %add3A_236 = arith.addi %mul3A_234, %add3A_235 : i32
      %mul3A_237 = arith.constant 16 : i32
      %mul3A_238 = arith.muli %add3A_236, %mul3A_237 : i32
      %add3A_239 = arith.constant 12288 : i32
      %add3A_240 = arith.addi %add3A_239, %mul3A_238 : i32
      %get3A_241 = arith.index_cast %add3A_240 : i32 to index
      %get3A_242 = tpu.vector_load %arg15[%get3A_241] {strides = array<i32>} : memref<16384xi32, #tpu.memory_space<vmem>>, vector<16xi32>,
      %gather3A_243 = tpu.vector_load_idx %arg17[%get3A_242] : memref<1024xi32, #tpu.memory_space<vmem>>[vector<16xi32>], vector<16xi32>,
      %swap3A_244 = arith.index_cast %add3A_240 : i32 to index
      %swap3A_245 = tpu.vector_load %arg16[%swap3A_244] {strides = array<i32>} : memref<16384xi32, #tpu.memory_space<vmem>>, vector<16xi32>,
      tpu.vector_store %arg16[%swap3A_244], %gather3A_243 {strides = array<i32>} : memref<16384xi32, #tpu.memory_space<vmem>>, vector<16xi32>,
      %mul3A_246 = arith.constant 4 : i32
      %mul3A_247 = arith.muli %scan3A_208, %mul3A_246 : i32
      %add3A_248 = arith.constant 3 : i32
      %add3A_249 = arith.addi %mul3A_247, %add3A_248 : i32
      %mul3A_250 = arith.constant 16 : i32
      %mul3A_251 = arith.muli %add3A_249, %mul3A_250 : i32
      %add3A_252 = arith.constant 12288 : i32
      %add3A_253 = arith.addi %add3A_252, %mul3A_251 : i32
      %get3A_254 = arith.index_cast %add3A_253 : i32 to index
      %get3A_255 = tpu.vector_load %arg15[%get3A_254] {strides = array<i32>} : memref<16384xi32, #tpu.memory_space<vmem>>, vector<16xi32>,
      %gather3A_256 = tpu.vector_load_idx %arg17[%get3A_255] : memref<1024xi32, #tpu.memory_space<vmem>>[vector<16xi32>], vector<16xi32>,
      %swap3A_257 = arith.index_cast %add3A_253 : i32 to index
      %swap3A_258 = tpu.vector_load %arg16[%swap3A_257] {strides = array<i32>} : memref<16384xi32, #tpu.memory_space<vmem>>, vector<16xi32>,
      tpu.vector_store %arg16[%swap3A_257], %gather3A_256 {strides = array<i32>} : memref<16384xi32, #tpu.memory_space<vmem>>, vector<16xi32>,
      %scan3A_259 = arith.constant 0 : i32
      scf.yield %scan3A_259 : i32
    }
    %scan3A_99 = arith.constant 64 : i32
    %dma_start3A_100 = tpu.memref_slice %arg9[%mul3A_2] : memref<1048576xi32, #tpu.memory_space<hbm>> -> memref<16384xi32, #tpu.memory_space<hbm>>
    %dma_start3A_101 = tpu.memref_slice %arg9[%mul3A_2] : memref<1048576xi32, #tpu.memory_space<hbm>> -> memref<16384xi32, #tpu.memory_space<hbm>>
    tpu.enqueue_dma source(%arg16 : memref<16384xi32, #tpu.memory_space<vmem>>) target(%dma_start3A_101 : memref<16384xi32, #tpu.memory_space<hbm>>) target_semaphore(%arg26 : memref<!tpu.dma_semaphore, #tpu.memory_space<semaphore_mem>>)
    %add3A_102 = arith.constant 16384 : i32
    %add3A_103 = arith.addi %mul3A_2, %add3A_102 : i32
    %dma_start3A_104 = tpu.memref_slice %arg3[%add3A_103] : memref<1048576xi32, #tpu.memory_space<hbm>> -> memref<16384xi32, #tpu.memory_space<hbm>>
    %dma_start3A_105 = tpu.memref_slice %arg3[%add3A_103] : memref<1048576xi32, #tpu.memory_space<hbm>> -> memref<16384xi32, #tpu.memory_space<hbm>>
    tpu.enqueue_dma source(%dma_start3A_105 : memref<16384xi32, #tpu.memory_space<hbm>>) target(%arg15 : memref<16384xi32, #tpu.memory_space<vmem>>) target_semaphore(%arg25 : memref<!tpu.dma_semaphore, #tpu.memory_space<semaphore_mem>>)
    %dma_wait3A_106 = arith.constant 0 : i32
    %dma_wait3A_107 = tpu.memref_slice %arg18[%dma_wait3A_106] : memref<1000448xi32, #tpu.memory_space<vmem_shared>> -> memref<1000448xi32, #tpu.memory_space<vmem_shared>>
    tpu.wait_indirect_dma semaphore(%arg22 : memref<!tpu.dma_semaphore, #tpu.memory_space<semaphore_mem>>) src(%dma_wait3A_107 : memref<1000448xi32, #tpu.memory_space<vmem_shared>>) dst(%arg14 : memref<8192xi32, #tpu.memory_space<vmem>>)
    %add3A_108 = arith.constant 24576 : i32
    %add3A_109 = arith.addi %mul3A_2, %add3A_108 : i32
    %dma_start3A_110 = tpu.memref_slice %arg8[%add3A_109] : memref<1048576xi32, #tpu.memory_space<hbm>> -> memref<8192xi32, #tpu.memory_space<hbm>>
    %dma_start3A_111 = tpu.memref_slice %arg8[%add3A_109] : memref<1048576xi32, #tpu.memory_space<hbm>> -> memref<8192xi32, #tpu.memory_space<hbm>>
    tpu.enqueue_dma source(%arg14 : memref<8192xi32, #tpu.memory_space<vmem>>) target(%dma_start3A_111 : memref<8192xi32, #tpu.memory_space<hbm>>) target_semaphore(%arg24 : memref<!tpu.dma_semaphore, #tpu.memory_space<semaphore_mem>>)
    %add3A_112 = arith.constant 8192 : i32
    %add3A_113 = arith.addi %mul3A_2, %add3A_112 : i32
    %dma_start3A_114 = tpu.memref_slice %arg4[%add3A_113] : memref<1048576xi32, #tpu.memory_space<hbm>> -> memref<8192xi32, #tpu.memory_space<hbm>>
    %dma_start3A_115 = tpu.memref_slice %arg4[%add3A_113] : memref<1048576xi32, #tpu.memory_space<hbm>> -> memref<8192xi32, #tpu.memory_space<hbm>>
    tpu.enqueue_dma source(%dma_start3A_115 : memref<8192xi32, #tpu.memory_space<hbm>>) target(%arg12 : memref<8192xi32, #tpu.memory_space<vmem>>) target_semaphore(%arg20 : memref<!tpu.dma_semaphore, #tpu.memory_space<semaphore_mem>>)
    %dma_wait3A_116 = tpu.memref_slice %arg4[%add3A_113] : memref<1048576xi32, #tpu.memory_space<hbm>> -> memref<8192xi32, #tpu.memory_space<hbm>>
    %dma_wait3A_117 = tpu.memref_slice %arg4[%add3A_113] : memref<1048576xi32, #tpu.memory_space<hbm>> -> memref<8192xi32, #tpu.memory_space<hbm>>
    tpu.wait_dma2 semaphore(%arg20 : memref<!tpu.dma_semaphore, #tpu.memory_space<semaphore_mem>>) src(%dma_wait3A_117 : memref<8192xi32, #tpu.memory_space<hbm>>) dst(%arg12 : memref<8192xi32, #tpu.memory_space<vmem>>)
    %dma_wait3A_118 = tpu.memref_slice %arg8[%add3A_109] : memref<1048576xi32, #tpu.memory_space<hbm>> -> memref<8192xi32, #tpu.memory_space<hbm>>
    %dma_wait3A_119 = tpu.memref_slice %arg8[%add3A_109] : memref<1048576xi32, #tpu.memory_space<hbm>> -> memref<8192xi32, #tpu.memory_space<hbm>>
    tpu.wait_dma2 semaphore(%arg24 : memref<!tpu.dma_semaphore, #tpu.memory_space<semaphore_mem>>) src(%arg14 : memref<8192xi32, #tpu.memory_space<vmem>>) dst(%dma_wait3A_119 : memref<8192xi32, #tpu.memory_space<hbm>>)
    %dma_start3A_120 = arith.constant 0 : i32
    %dma_start3A_121 = tpu.memref_slice %arg18[%dma_start3A_120] : memref<1000448xi32, #tpu.memory_space<vmem_shared>> -> memref<1000448xi32, #tpu.memory_space<vmem_shared>>
    tpu.enqueue_indirect_dma source(%dma_start3A_121 : memref<1000448xi32, #tpu.memory_space<vmem_shared>>) target(%arg14 : memref<8192xi32, #tpu.memory_space<vmem>>) offsets(%arg12 : memref<8192xi32, #tpu.memory_space<vmem>>) semaphore(%arg22 : memref<!tpu.dma_semaphore, #tpu.memory_space<semaphore_mem>>)
    %dma_wait3A_122 = tpu.memref_slice %arg3[%add3A_103] : memref<1048576xi32, #tpu.memory_space<hbm>> -> memref<16384xi32, #tpu.memory_space<hbm>>
    %dma_wait3A_123 = tpu.memref_slice %arg3[%add3A_103] : memref<1048576xi32, #tpu.memory_space<hbm>> -> memref<16384xi32, #tpu.memory_space<hbm>>
    tpu.wait_dma2 semaphore(%arg25 : memref<!tpu.dma_semaphore, #tpu.memory_space<semaphore_mem>>) src(%dma_wait3A_123 : memref<16384xi32, #tpu.memory_space<hbm>>) dst(%arg15 : memref<16384xi32, #tpu.memory_space<vmem>>)
    %dma_wait3A_124 = tpu.memref_slice %arg9[%mul3A_2] : memref<1048576xi32, #tpu.memory_space<hbm>> -> memref<16384xi32, #tpu.memory_space<hbm>>
    %dma_wait3A_125 = tpu.memref_slice %arg9[%mul3A_2] : memref<1048576xi32, #tpu.memory_space<hbm>> -> memref<16384xi32, #tpu.memory_space<hbm>>
    tpu.wait_dma2 semaphore(%arg26 : memref<!tpu.dma_semaphore, #tpu.memory_space<semaphore_mem>>) src(%arg16 : memref<16384xi32, #tpu.memory_space<vmem>>) dst(%dma_wait3A_125 : memref<16384xi32, #tpu.memory_space<hbm>>)
    %scan3A_126 = arith.constant 0 : i32
    %scan3A_127 = arith.constant 0 : i32
    %scan3A_128 = arith.constant 64 : i32
    %scan3A_129 = arith.addi %scan3A_127, %scan3A_128 : i32
    %scan3A_130 = arith.constant 1 : i32
    %scan3A_131 = scf.for %scan3A_208 = %scan3A_127 to %scan3A_129 step %scan3A_130 iter_args(%scan3A_209 = %scan3A_126) -> (i32)  : i32 {
      %mul3A_210 = arith.constant 4 : i32
      %mul3A_211 = arith.muli %scan3A_208, %mul3A_210 : i32
      %add3A_212 = arith.constant 0 : i32
      %add3A_213 = arith.addi %mul3A_211, %add3A_212 : i32
      %mul3A_214 = arith.constant 16 : i32
      %mul3A_215 = arith.muli %add3A_213, %mul3A_214 : i32
      %add3A_216 = arith.constant 0 : i32
      %add3A_217 = arith.addi %add3A_216, %mul3A_215 : i32
      %get3A = arith.index_cast %add3A_217 : i32 to index
      %get3A_218 = tpu.vector_load %arg15[%get3A] {strides = array<i32>} : memref<16384xi32, #tpu.memory_space<vmem>>, vector<16xi32>,
      %gather3A = tpu.vector_load_idx %arg17[%get3A_218] : memref<1024xi32, #tpu.memory_space<vmem>>[vector<16xi32>], vector<16xi32>,
      %swap3A = arith.index_cast %add3A_217 : i32 to index
      %swap3A_219 = tpu.vector_load %arg16[%swap3A] {strides = array<i32>} : memref<16384xi32, #tpu.memory_space<vmem>>, vector<16xi32>,
      tpu.vector_store %arg16[%swap3A], %gather3A {strides = array<i32>} : memref<16384xi32, #tpu.memory_space<vmem>>, vector<16xi32>,
      %mul3A_220 = arith.constant 4 : i32
      %mul3A_221 = arith.muli %scan3A_208, %mul3A_220 : i32
      %add3A_222 = arith.constant 1 : i32
      %add3A_223 = arith.addi %mul3A_221, %add3A_222 : i32
      %mul3A_224 = arith.constant 16 : i32
      %mul3A_225 = arith.muli %add3A_223, %mul3A_224 : i32
      %add3A_226 = arith.constant 0 : i32
      %add3A_227 = arith.addi %add3A_226, %mul3A_225 : i32
      %get3A_228 = arith.index_cast %add3A_227 : i32 to index
      %get3A_229 = tpu.vector_load %arg15[%get3A_228] {strides = array<i32>} : memref<16384xi32, #tpu.memory_space<vmem>>, vector<16xi32>,
      %gather3A_230 = tpu.vector_load_idx %arg17[%get3A_229] : memref<1024xi32, #tpu.memory_space<vmem>>[vector<16xi32>], vector<16xi32>,
      %swap3A_231 = arith.index_cast %add3A_227 : i32 to index
      %swap3A_232 = tpu.vector_load %arg16[%swap3A_231] {strides = array<i32>} : memref<16384xi32, #tpu.memory_space<vmem>>, vector<16xi32>,
      tpu.vector_store %arg16[%swap3A_231], %gather3A_230 {strides = array<i32>} : memref<16384xi32, #tpu.memory_space<vmem>>, vector<16xi32>,
      %mul3A_233 = arith.constant 4 : i32
      %mul3A_234 = arith.muli %scan3A_208, %mul3A_233 : i32
      %add3A_235 = arith.constant 2 : i32
      %add3A_236 = arith.addi %mul3A_234, %add3A_235 : i32
      %mul3A_237 = arith.constant 16 : i32
      %mul3A_238 = arith.muli %add3A_236, %mul3A_237 : i32
      %add3A_239 = arith.constant 0 : i32
      %add3A_240 = arith.addi %add3A_239, %mul3A_238 : i32
      %get3A_241 = arith.index_cast %add3A_240 : i32 to index
      %get3A_242 = tpu.vector_load %arg15[%get3A_241] {strides = array<i32>} : memref<16384xi32, #tpu.memory_space<vmem>>, vector<16xi32>,
      %gather3A_243 = tpu.vector_load_idx %arg17[%get3A_242] : memref<1024xi32, #tpu.memory_space<vmem>>[vector<16xi32>], vector<16xi32>,
      %swap3A_244 = arith.index_cast %add3A_240 : i32 to index
      %swap3A_245 = tpu.vector_load %arg16[%swap3A_244] {strides = array<i32>} : memref<16384xi32, #tpu.memory_space<vmem>>, vector<16xi32>,
      tpu.vector_store %arg16[%swap3A_244], %gather3A_243 {strides = array<i32>} : memref<16384xi32, #tpu.memory_space<vmem>>, vector<16xi32>,
      %mul3A_246 = arith.constant 4 : i32
      %mul3A_247 = arith.muli %scan3A_208, %mul3A_246 : i32
      %add3A_248 = arith.constant 3 : i32
      %add3A_249 = arith.addi %mul3A_247, %add3A_248 : i32
      %mul3A_250 = arith.constant 16 : i32
      %mul3A_251 = arith.muli %add3A_249, %mul3A_250 : i32
      %add3A_252 = arith.constant 0 : i32
      %add3A_253 = arith.addi %add3A_252, %mul3A_251 : i32
      %get3A_254 = arith.index_cast %add3A_253 : i32 to index
      %get3A_255 = tpu.vector_load %arg15[%get3A_254] {strides = array<i32>} : memref<16384xi32, #tpu.memory_space<vmem>>, vector<16xi32>,
      %gather3A_256 = tpu.vector_load_idx %arg17[%get3A_255] : memref<1024xi32, #tpu.memory_space<vmem>>[vector<16xi32>], vector<16xi32>,
      %swap3A_257 = arith.index_cast %add3A_253 : i32 to index
      %swap3A_258 = tpu.vector_load %arg16[%swap3A_257] {strides = array<i32>} : memref<16384xi32, #tpu.memory_space<vmem>>, vector<16xi32>,
      tpu.vector_store %arg16[%swap3A_257], %gather3A_256 {strides = array<i32>} : memref<16384xi32, #tpu.memory_space<vmem>>, vector<16xi32>,
      %scan3A_259 = arith.constant 0 : i32
      scf.yield %scan3A_259 : i32
    }
    %scan3A_132 = arith.constant 64 : i32
    %dma_wait3A_133 = arith.constant 0 : i32
    %dma_wait3A_134 = tpu.memref_slice %arg18[%dma_wait3A_133] : memref<1000448xi32, #tpu.memory_space<vmem_shared>> -> memref<1000448xi32, #tpu.memory_space<vmem_shared>>
    tpu.wait_indirect_dma semaphore(%arg21 : memref<!tpu.dma_semaphore, #tpu.memory_space<semaphore_mem>>) src(%dma_wait3A_134 : memref<1000448xi32, #tpu.memory_space<vmem_shared>>) dst(%arg13 : memref<8192xi32, #tpu.memory_space<vmem>>)
    %add3A_135 = arith.constant 0 : i32
    %add3A_136 = arith.addi %mul3A_2, %add3A_135 : i32
    %dma_start3A_137 = tpu.memref_slice %arg10[%add3A_136] : memref<1048576xi32, #tpu.memory_space<hbm>> -> memref<8192xi32, #tpu.memory_space<hbm>>
    %dma_start3A_138 = tpu.memref_slice %arg10[%add3A_136] : memref<1048576xi32, #tpu.memory_space<hbm>> -> memref<8192xi32, #tpu.memory_space<hbm>>
    tpu.enqueue_dma source(%arg13 : memref<8192xi32, #tpu.memory_space<vmem>>) target(%dma_start3A_138 : memref<8192xi32, #tpu.memory_space<hbm>>) target_semaphore(%arg23 : memref<!tpu.dma_semaphore, #tpu.memory_space<semaphore_mem>>)
    %add3A_139 = arith.constant 16384 : i32
    %add3A_140 = arith.addi %mul3A_2, %add3A_139 : i32
    %dma_start3A_141 = tpu.memref_slice %arg4[%add3A_140] : memref<1048576xi32, #tpu.memory_space<hbm>> -> memref<8192xi32, #tpu.memory_space<hbm>>
    %dma_start3A_142 = tpu.memref_slice %arg4[%add3A_140] : memref<1048576xi32, #tpu.memory_space<hbm>> -> memref<8192xi32, #tpu.memory_space<hbm>>
    tpu.enqueue_dma source(%dma_start3A_142 : memref<8192xi32, #tpu.memory_space<hbm>>) target(%arg11 : memref<8192xi32, #tpu.memory_space<vmem>>) target_semaphore(%arg19 : memref<!tpu.dma_semaphore, #tpu.memory_space<semaphore_mem>>)
    %dma_wait3A_143 = tpu.memref_slice %arg4[%add3A_140] : memref<1048576xi32, #tpu.memory_space<hbm>> -> memref<8192xi32, #tpu.memory_space<hbm>>
    %dma_wait3A_144 = tpu.memref_slice %arg4[%add3A_140] : memref<1048576xi32, #tpu.memory_space<hbm>> -> memref<8192xi32, #tpu.memory_space<hbm>>
    tpu.wait_dma2 semaphore(%arg19 : memref<!tpu.dma_semaphore, #tpu.memory_space<semaphore_mem>>) src(%dma_wait3A_144 : memref<8192xi32, #tpu.memory_space<hbm>>) dst(%arg11 : memref<8192xi32, #tpu.memory_space<vmem>>)
    %dma_wait3A_145 = tpu.memref_slice %arg10[%add3A_136] : memref<1048576xi32, #tpu.memory_space<hbm>> -> memref<8192xi32, #tpu.memory_space<hbm>>
    %dma_wait3A_146 = tpu.memref_slice %arg10[%add3A_136] : memref<1048576xi32, #tpu.memory_space<hbm>> -> memref<8192xi32, #tpu.memory_space<hbm>>
    tpu.wait_dma2 semaphore(%arg23 : memref<!tpu.dma_semaphore, #tpu.memory_space<semaphore_mem>>) src(%arg13 : memref<8192xi32, #tpu.memory_space<vmem>>) dst(%dma_wait3A_146 : memref<8192xi32, #tpu.memory_space<hbm>>)
    %dma_start3A_147 = arith.constant 0 : i32
    %dma_start3A_148 = tpu.memref_slice %arg18[%dma_start3A_147] : memref<1000448xi32, #tpu.memory_space<vmem_shared>> -> memref<1000448xi32, #tpu.memory_space<vmem_shared>>
    tpu.enqueue_indirect_dma source(%dma_start3A_148 : memref<1000448xi32, #tpu.memory_space<vmem_shared>>) target(%arg13 : memref<8192xi32, #tpu.memory_space<vmem>>) offsets(%arg11 : memref<8192xi32, #tpu.memory_space<vmem>>) semaphore(%arg21 : memref<!tpu.dma_semaphore, #tpu.memory_space<semaphore_mem>>)
    %scan3A_149 = arith.constant 0 : i32
    %scan3A_150 = arith.constant 0 : i32
    %scan3A_151 = arith.constant 64 : i32
    %scan3A_152 = arith.addi %scan3A_150, %scan3A_151 : i32
    %scan3A_153 = arith.constant 1 : i32
    %scan3A_154 = scf.for %scan3A_208 = %scan3A_150 to %scan3A_152 step %scan3A_153 iter_args(%scan3A_209 = %scan3A_149) -> (i32)  : i32 {
      %mul3A_210 = arith.constant 4 : i32
      %mul3A_211 = arith.muli %scan3A_208, %mul3A_210 : i32
      %add3A_212 = arith.constant 0 : i32
      %add3A_213 = arith.addi %mul3A_211, %add3A_212 : i32
      %mul3A_214 = arith.constant 16 : i32
      %mul3A_215 = arith.muli %add3A_213, %mul3A_214 : i32
      %add3A_216 = arith.constant 4096 : i32
      %add3A_217 = arith.addi %add3A_216, %mul3A_215 : i32
      %get3A = arith.index_cast %add3A_217 : i32 to index
      %get3A_218 = tpu.vector_load %arg15[%get3A] {strides = array<i32>} : memref<16384xi32, #tpu.memory_space<vmem>>, vector<16xi32>,
      %gather3A = tpu.vector_load_idx %arg17[%get3A_218] : memref<1024xi32, #tpu.memory_space<vmem>>[vector<16xi32>], vector<16xi32>,
      %swap3A = arith.index_cast %add3A_217 : i32 to index
      %swap3A_219 = tpu.vector_load %arg16[%swap3A] {strides = array<i32>} : memref<16384xi32, #tpu.memory_space<vmem>>, vector<16xi32>,
      tpu.vector_store %arg16[%swap3A], %gather3A {strides = array<i32>} : memref<16384xi32, #tpu.memory_space<vmem>>, vector<16xi32>,
      %mul3A_220 = arith.constant 4 : i32
      %mul3A_221 = arith.muli %scan3A_208, %mul3A_220 : i32
      %add3A_222 = arith.constant 1 : i32
      %add3A_223 = arith.addi %mul3A_221, %add3A_222 : i32
      %mul3A_224 = arith.constant 16 : i32
      %mul3A_225 = arith.muli %add3A_223, %mul3A_224 : i32
      %add3A_226 = arith.constant 4096 : i32
      %add3A_227 = arith.addi %add3A_226, %mul3A_225 : i32
      %get3A_228 = arith.index_cast %add3A_227 : i32 to index
      %get3A_229 = tpu.vector_load %arg15[%get3A_228] {strides = array<i32>} : memref<16384xi32, #tpu.memory_space<vmem>>, vector<16xi32>,
      %gather3A_230 = tpu.vector_load_idx %arg17[%get3A_229] : memref<1024xi32, #tpu.memory_space<vmem>>[vector<16xi32>], vector<16xi32>,
      %swap3A_231 = arith.index_cast %add3A_227 : i32 to index
      %swap3A_232 = tpu.vector_load %arg16[%swap3A_231] {strides = array<i32>} : memref<16384xi32, #tpu.memory_space<vmem>>, vector<16xi32>,
      tpu.vector_store %arg16[%swap3A_231], %gather3A_230 {strides = array<i32>} : memref<16384xi32, #tpu.memory_space<vmem>>, vector<16xi32>,
      %mul3A_233 = arith.constant 4 : i32
      %mul3A_234 = arith.muli %scan3A_208, %mul3A_233 : i32
      %add3A_235 = arith.constant 2 : i32
      %add3A_236 = arith.addi %mul3A_234, %add3A_235 : i32
      %mul3A_237 = arith.constant 16 : i32
      %mul3A_238 = arith.muli %add3A_236, %mul3A_237 : i32
      %add3A_239 = arith.constant 4096 : i32
      %add3A_240 = arith.addi %add3A_239, %mul3A_238 : i32
      %get3A_241 = arith.index_cast %add3A_240 : i32 to index
      %get3A_242 = tpu.vector_load %arg15[%get3A_241] {strides = array<i32>} : memref<16384xi32, #tpu.memory_space<vmem>>, vector<16xi32>,
      %gather3A_243 = tpu.vector_load_idx %arg17[%get3A_242] : memref<1024xi32, #tpu.memory_space<vmem>>[vector<16xi32>], vector<16xi32>,
      %swap3A_244 = arith.index_cast %add3A_240 : i32 to index
      %swap3A_245 = tpu.vector_load %arg16[%swap3A_244] {strides = array<i32>} : memref<16384xi32, #tpu.memory_space<vmem>>, vector<16xi32>,
      tpu.vector_store %arg16[%swap3A_244], %gather3A_243 {strides = array<i32>} : memref<16384xi32, #tpu.memory_space<vmem>>, vector<16xi32>,
      %mul3A_246 = arith.constant 4 : i32
      %mul3A_247 = arith.muli %scan3A_208, %mul3A_246 : i32
      %add3A_248 = arith.constant 3 : i32
      %add3A_249 = arith.addi %mul3A_247, %add3A_248 : i32
      %mul3A_250 = arith.constant 16 : i32
      %mul3A_251 = arith.muli %add3A_249, %mul3A_250 : i32
      %add3A_252 = arith.constant 4096 : i32
      %add3A_253 = arith.addi %add3A_252, %mul3A_251 : i32
      %get3A_254 = arith.index_cast %add3A_253 : i32 to index
      %get3A_255 = tpu.vector_load %arg15[%get3A_254] {strides = array<i32>} : memref<16384xi32, #tpu.memory_space<vmem>>, vector<16xi32>,
      %gather3A_256 = tpu.vector_load_idx %arg17[%get3A_255] : memref<1024xi32, #tpu.memory_space<vmem>>[vector<16xi32>], vector<16xi32>,
      %swap3A_257 = arith.index_cast %add3A_253 : i32 to index
      %swap3A_258 = tpu.vector_load %arg16[%swap3A_257] {strides = array<i32>} : memref<16384xi32, #tpu.memory_space<vmem>>, vector<16xi32>,
      tpu.vector_store %arg16[%swap3A_257], %gather3A_256 {strides = array<i32>} : memref<16384xi32, #tpu.memory_space<vmem>>, vector<16xi32>,
      %scan3A_259 = arith.constant 0 : i32
      scf.yield %scan3A_259 : i32
    }
    %scan3A_155 = arith.constant 64 : i32
    %dma_wait3A_156 = arith.constant 0 : i32
    %dma_wait3A_157 = tpu.memref_slice %arg18[%dma_wait3A_156] : memref<1000448xi32, #tpu.memory_space<vmem_shared>> -> memref<1000448xi32, #tpu.memory_space<vmem_shared>>
    tpu.wait_indirect_dma semaphore(%arg22 : memref<!tpu.dma_semaphore, #tpu.memory_space<semaphore_mem>>) src(%dma_wait3A_157 : memref<1000448xi32, #tpu.memory_space<vmem_shared>>) dst(%arg14 : memref<8192xi32, #tpu.memory_space<vmem>>)
    %add3A_158 = arith.constant 8192 : i32
    %add3A_159 = arith.addi %mul3A_2, %add3A_158 : i32
    %dma_start3A_160 = tpu.memref_slice %arg10[%add3A_159] : memref<1048576xi32, #tpu.memory_space<hbm>> -> memref<8192xi32, #tpu.memory_space<hbm>>
    %dma_start3A_161 = tpu.memref_slice %arg10[%add3A_159] : memref<1048576xi32, #tpu.memory_space<hbm>> -> memref<8192xi32, #tpu.memory_space<hbm>>
    tpu.enqueue_dma source(%arg14 : memref<8192xi32, #tpu.memory_space<vmem>>) target(%dma_start3A_161 : memref<8192xi32, #tpu.memory_space<hbm>>) target_semaphore(%arg24 : memref<!tpu.dma_semaphore, #tpu.memory_space<semaphore_mem>>)
    %add3A_162 = arith.constant 24576 : i32
    %add3A_163 = arith.addi %mul3A_2, %add3A_162 : i32
    %dma_start3A_164 = tpu.memref_slice %arg4[%add3A_163] : memref<1048576xi32, #tpu.memory_space<hbm>> -> memref<8192xi32, #tpu.memory_space<hbm>>
    %dma_start3A_165 = tpu.memref_slice %arg4[%add3A_163] : memref<1048576xi32, #tpu.memory_space<hbm>> -> memref<8192xi32, #tpu.memory_space<hbm>>
    tpu.enqueue_dma source(%dma_start3A_165 : memref<8192xi32, #tpu.memory_space<hbm>>) target(%arg12 : memref<8192xi32, #tpu.memory_space<vmem>>) target_semaphore(%arg20 : memref<!tpu.dma_semaphore, #tpu.memory_space<semaphore_mem>>)
    %dma_wait3A_166 = tpu.memref_slice %arg4[%add3A_163] : memref<1048576xi32, #tpu.memory_space<hbm>> -> memref<8192xi32, #tpu.memory_space<hbm>>
    %dma_wait3A_167 = tpu.memref_slice %arg4[%add3A_163] : memref<1048576xi32, #tpu.memory_space<hbm>> -> memref<8192xi32, #tpu.memory_space<hbm>>
    tpu.wait_dma2 semaphore(%arg20 : memref<!tpu.dma_semaphore, #tpu.memory_space<semaphore_mem>>) src(%dma_wait3A_167 : memref<8192xi32, #tpu.memory_space<hbm>>) dst(%arg12 : memref<8192xi32, #tpu.memory_space<vmem>>)
    %dma_wait3A_168 = tpu.memref_slice %arg10[%add3A_159] : memref<1048576xi32, #tpu.memory_space<hbm>> -> memref<8192xi32, #tpu.memory_space<hbm>>
    %dma_wait3A_169 = tpu.memref_slice %arg10[%add3A_159] : memref<1048576xi32, #tpu.memory_space<hbm>> -> memref<8192xi32, #tpu.memory_space<hbm>>
    tpu.wait_dma2 semaphore(%arg24 : memref<!tpu.dma_semaphore, #tpu.memory_space<semaphore_mem>>) src(%arg14 : memref<8192xi32, #tpu.memory_space<vmem>>) dst(%dma_wait3A_169 : memref<8192xi32, #tpu.memory_space<hbm>>)
    %dma_start3A_170 = arith.constant 0 : i32
    %dma_start3A_171 = tpu.memref_slice %arg18[%dma_start3A_170] : memref<1000448xi32, #tpu.memory_space<vmem_shared>> -> memref<1000448xi32, #tpu.memory_space<vmem_shared>>
    tpu.enqueue_indirect_dma source(%dma_start3A_171 : memref<1000448xi32, #tpu.memory_space<vmem_shared>>) target(%arg14 : memref<8192xi32, #tpu.memory_space<vmem>>) offsets(%arg12 : memref<8192xi32, #tpu.memory_space<vmem>>) semaphore(%arg22 : memref<!tpu.dma_semaphore, #tpu.memory_space<semaphore_mem>>)
    %scan3A_172 = arith.constant 0 : i32
    %scan3A_173 = arith.constant 0 : i32
    %scan3A_174 = arith.constant 64 : i32
    %scan3A_175 = arith.addi %scan3A_173, %scan3A_174 : i32
    %scan3A_176 = arith.constant 1 : i32
    %scan3A_177 = scf.for %scan3A_208 = %scan3A_173 to %scan3A_175 step %scan3A_176 iter_args(%scan3A_209 = %scan3A_172) -> (i32)  : i32 {
      %mul3A_210 = arith.constant 4 : i32
      %mul3A_211 = arith.muli %scan3A_208, %mul3A_210 : i32
      %add3A_212 = arith.constant 0 : i32
      %add3A_213 = arith.addi %mul3A_211, %add3A_212 : i32
      %mul3A_214 = arith.constant 16 : i32
      %mul3A_215 = arith.muli %add3A_213, %mul3A_214 : i32
      %add3A_216 = arith.constant 8192 : i32
      %add3A_217 = arith.addi %add3A_216, %mul3A_215 : i32
      %get3A = arith.index_cast %add3A_217 : i32 to index
      %get3A_218 = tpu.vector_load %arg15[%get3A] {strides = array<i32>} : memref<16384xi32, #tpu.memory_space<vmem>>, vector<16xi32>,
      %gather3A = tpu.vector_load_idx %arg17[%get3A_218] : memref<1024xi32, #tpu.memory_space<vmem>>[vector<16xi32>], vector<16xi32>,
      %swap3A = arith.index_cast %add3A_217 : i32 to index
      %swap3A_219 = tpu.vector_load %arg16[%swap3A] {strides = array<i32>} : memref<16384xi32, #tpu.memory_space<vmem>>, vector<16xi32>,
      tpu.vector_store %arg16[%swap3A], %gather3A {strides = array<i32>} : memref<16384xi32, #tpu.memory_space<vmem>>, vector<16xi32>,
      %mul3A_220 = arith.constant 4 : i32
      %mul3A_221 = arith.muli %scan3A_208, %mul3A_220 : i32
      %add3A_222 = arith.constant 1 : i32
      %add3A_223 = arith.addi %mul3A_221, %add3A_222 : i32
      %mul3A_224 = arith.constant 16 : i32
      %mul3A_225 = arith.muli %add3A_223, %mul3A_224 : i32
      %add3A_226 = arith.constant 8192 : i32
      %add3A_227 = arith.addi %add3A_226, %mul3A_225 : i32
      %get3A_228 = arith.index_cast %add3A_227 : i32 to index
      %get3A_229 = tpu.vector_load %arg15[%get3A_228] {strides = array<i32>} : memref<16384xi32, #tpu.memory_space<vmem>>, vector<16xi32>,
      %gather3A_230 = tpu.vector_load_idx %arg17[%get3A_229] : memref<1024xi32, #tpu.memory_space<vmem>>[vector<16xi32>], vector<16xi32>,
      %swap3A_231 = arith.index_cast %add3A_227 : i32 to index
      %swap3A_232 = tpu.vector_load %arg16[%swap3A_231] {strides = array<i32>} : memref<16384xi32, #tpu.memory_space<vmem>>, vector<16xi32>,
      tpu.vector_store %arg16[%swap3A_231], %gather3A_230 {strides = array<i32>} : memref<16384xi32, #tpu.memory_space<vmem>>, vector<16xi32>,
      %mul3A_233 = arith.constant 4 : i32
      %mul3A_234 = arith.muli %scan3A_208, %mul3A_233 : i32
      %add3A_235 = arith.constant 2 : i32
      %add3A_236 = arith.addi %mul3A_234, %add3A_235 : i32
      %mul3A_237 = arith.constant 16 : i32
      %mul3A_238 = arith.muli %add3A_236, %mul3A_237 : i32
      %add3A_239 = arith.constant 8192 : i32
      %add3A_240 = arith.addi %add3A_239, %mul3A_238 : i32
      %get3A_241 = arith.index_cast %add3A_240 : i32 to index
      %get3A_242 = tpu.vector_load %arg15[%get3A_241] {strides = array<i32>} : memref<16384xi32, #tpu.memory_space<vmem>>, vector<16xi32>,
      %gather3A_243 = tpu.vector_load_idx %arg17[%get3A_242] : memref<1024xi32, #tpu.memory_space<vmem>>[vector<16xi32>], vector<16xi32>,
      %swap3A_244 = arith.index_cast %add3A_240 : i32 to index
      %swap3A_245 = tpu.vector_load %arg16[%swap3A_244] {strides = array<i32>} : memref<16384xi32, #tpu.memory_space<vmem>>, vector<16xi32>,
      tpu.vector_store %arg16[%swap3A_244], %gather3A_243 {strides = array<i32>} : memref<16384xi32, #tpu.memory_space<vmem>>, vector<16xi32>,
      %mul3A_246 = arith.constant 4 : i32
      %mul3A_247 = arith.muli %scan3A_208, %mul3A_246 : i32
      %add3A_248 = arith.constant 3 : i32
      %add3A_249 = arith.addi %mul3A_247, %add3A_248 : i32
      %mul3A_250 = arith.constant 16 : i32
      %mul3A_251 = arith.muli %add3A_249, %mul3A_250 : i32
      %add3A_252 = arith.constant 8192 : i32
      %add3A_253 = arith.addi %add3A_252, %mul3A_251 : i32
      %get3A_254 = arith.index_cast %add3A_253 : i32 to index
      %get3A_255 = tpu.vector_load %arg15[%get3A_254] {strides = array<i32>} : memref<16384xi32, #tpu.memory_space<vmem>>, vector<16xi32>,
      %gather3A_256 = tpu.vector_load_idx %arg17[%get3A_255] : memref<1024xi32, #tpu.memory_space<vmem>>[vector<16xi32>], vector<16xi32>,
      %swap3A_257 = arith.index_cast %add3A_253 : i32 to index
      %swap3A_258 = tpu.vector_load %arg16[%swap3A_257] {strides = array<i32>} : memref<16384xi32, #tpu.memory_space<vmem>>, vector<16xi32>,
      tpu.vector_store %arg16[%swap3A_257], %gather3A_256 {strides = array<i32>} : memref<16384xi32, #tpu.memory_space<vmem>>, vector<16xi32>,
      %scan3A_259 = arith.constant 0 : i32
      scf.yield %scan3A_259 : i32
    }
    %scan3A_178 = arith.constant 64 : i32
    %dma_wait3A_179 = arith.constant 0 : i32
    %dma_wait3A_180 = tpu.memref_slice %arg18[%dma_wait3A_179] : memref<1000448xi32, #tpu.memory_space<vmem_shared>> -> memref<1000448xi32, #tpu.memory_space<vmem_shared>>
    tpu.wait_indirect_dma semaphore(%arg21 : memref<!tpu.dma_semaphore, #tpu.memory_space<semaphore_mem>>) src(%dma_wait3A_180 : memref<1000448xi32, #tpu.memory_space<vmem_shared>>) dst(%arg13 : memref<8192xi32, #tpu.memory_space<vmem>>)
    %add3A_181 = arith.constant 16384 : i32
    %add3A_182 = arith.addi %mul3A_2, %add3A_181 : i32
    %dma_start3A_183 = tpu.memref_slice %arg10[%add3A_182] : memref<1048576xi32, #tpu.memory_space<hbm>> -> memref<8192xi32, #tpu.memory_space<hbm>>
    %dma_start3A_184 = tpu.memref_slice %arg10[%add3A_182] : memref<1048576xi32, #tpu.memory_space<hbm>> -> memref<8192xi32, #tpu.memory_space<hbm>>
    tpu.enqueue_dma source(%arg13 : memref<8192xi32, #tpu.memory_space<vmem>>) target(%dma_start3A_184 : memref<8192xi32, #tpu.memory_space<hbm>>) target_semaphore(%arg23 : memref<!tpu.dma_semaphore, #tpu.memory_space<semaphore_mem>>)
    %scan3A_185 = arith.constant 0 : i32
    %scan3A_186 = arith.constant 0 : i32
    %scan3A_187 = arith.constant 64 : i32
    %scan3A_188 = arith.addi %scan3A_186, %scan3A_187 : i32
    %scan3A_189 = arith.constant 1 : i32
    %scan3A_190 = scf.for %scan3A_208 = %scan3A_186 to %scan3A_188 step %scan3A_189 iter_args(%scan3A_209 = %scan3A_185) -> (i32)  : i32 {
      %mul3A_210 = arith.constant 4 : i32
      %mul3A_211 = arith.muli %scan3A_208, %mul3A_210 : i32
      %add3A_212 = arith.constant 0 : i32
      %add3A_213 = arith.addi %mul3A_211, %add3A_212 : i32
      %mul3A_214 = arith.constant 16 : i32
      %mul3A_215 = arith.muli %add3A_213, %mul3A_214 : i32
      %add3A_216 = arith.constant 12288 : i32
      %add3A_217 = arith.addi %add3A_216, %mul3A_215 : i32
      %get3A = arith.index_cast %add3A_217 : i32 to index
      %get3A_218 = tpu.vector_load %arg15[%get3A] {strides = array<i32>} : memref<16384xi32, #tpu.memory_space<vmem>>, vector<16xi32>,
      %gather3A = tpu.vector_load_idx %arg17[%get3A_218] : memref<1024xi32, #tpu.memory_space<vmem>>[vector<16xi32>], vector<16xi32>,
      %swap3A = arith.index_cast %add3A_217 : i32 to index
      %swap3A_219 = tpu.vector_load %arg16[%swap3A] {strides = array<i32>} : memref<16384xi32, #tpu.memory_space<vmem>>, vector<16xi32>,
      tpu.vector_store %arg16[%swap3A], %gather3A {strides = array<i32>} : memref<16384xi32, #tpu.memory_space<vmem>>, vector<16xi32>,
      %mul3A_220 = arith.constant 4 : i32
      %mul3A_221 = arith.muli %scan3A_208, %mul3A_220 : i32
      %add3A_222 = arith.constant 1 : i32
      %add3A_223 = arith.addi %mul3A_221, %add3A_222 : i32
      %mul3A_224 = arith.constant 16 : i32
      %mul3A_225 = arith.muli %add3A_223, %mul3A_224 : i32
      %add3A_226 = arith.constant 12288 : i32
      %add3A_227 = arith.addi %add3A_226, %mul3A_225 : i32
      %get3A_228 = arith.index_cast %add3A_227 : i32 to index
      %get3A_229 = tpu.vector_load %arg15[%get3A_228] {strides = array<i32>} : memref<16384xi32, #tpu.memory_space<vmem>>, vector<16xi32>,
      %gather3A_230 = tpu.vector_load_idx %arg17[%get3A_229] : memref<1024xi32, #tpu.memory_space<vmem>>[vector<16xi32>], vector<16xi32>,
      %swap3A_231 = arith.index_cast %add3A_227 : i32 to index
      %swap3A_232 = tpu.vector_load %arg16[%swap3A_231] {strides = array<i32>} : memref<16384xi32, #tpu.memory_space<vmem>>, vector<16xi32>,
      tpu.vector_store %arg16[%swap3A_231], %gather3A_230 {strides = array<i32>} : memref<16384xi32, #tpu.memory_space<vmem>>, vector<16xi32>,
      %mul3A_233 = arith.constant 4 : i32
      %mul3A_234 = arith.muli %scan3A_208, %mul3A_233 : i32
      %add3A_235 = arith.constant 2 : i32
      %add3A_236 = arith.addi %mul3A_234, %add3A_235 : i32
      %mul3A_237 = arith.constant 16 : i32
      %mul3A_238 = arith.muli %add3A_236, %mul3A_237 : i32
      %add3A_239 = arith.constant 12288 : i32
      %add3A_240 = arith.addi %add3A_239, %mul3A_238 : i32
      %get3A_241 = arith.index_cast %add3A_240 : i32 to index
      %get3A_242 = tpu.vector_load %arg15[%get3A_241] {strides = array<i32>} : memref<16384xi32, #tpu.memory_space<vmem>>, vector<16xi32>,
      %gather3A_243 = tpu.vector_load_idx %arg17[%get3A_242] : memref<1024xi32, #tpu.memory_space<vmem>>[vector<16xi32>], vector<16xi32>,
      %swap3A_244 = arith.index_cast %add3A_240 : i32 to index
      %swap3A_245 = tpu.vector_load %arg16[%swap3A_244] {strides = array<i32>} : memref<16384xi32, #tpu.memory_space<vmem>>, vector<16xi32>,
      tpu.vector_store %arg16[%swap3A_244], %gather3A_243 {strides = array<i32>} : memref<16384xi32, #tpu.memory_space<vmem>>, vector<16xi32>,
      %mul3A_246 = arith.constant 4 : i32
      %mul3A_247 = arith.muli %scan3A_208, %mul3A_246 : i32
      %add3A_248 = arith.constant 3 : i32
      %add3A_249 = arith.addi %mul3A_247, %add3A_248 : i32
      %mul3A_250 = arith.constant 16 : i32
      %mul3A_251 = arith.muli %add3A_249, %mul3A_250 : i32
      %add3A_252 = arith.constant 12288 : i32
      %add3A_253 = arith.addi %add3A_252, %mul3A_251 : i32
      %get3A_254 = arith.index_cast %add3A_253 : i32 to index
      %get3A_255 = tpu.vector_load %arg15[%get3A_254] {strides = array<i32>} : memref<16384xi32, #tpu.memory_space<vmem>>, vector<16xi32>,
      %gather3A_256 = tpu.vector_load_idx %arg17[%get3A_255] : memref<1024xi32, #tpu.memory_space<vmem>>[vector<16xi32>], vector<16xi32>,
      %swap3A_257 = arith.index_cast %add3A_253 : i32 to index
      %swap3A_258 = tpu.vector_load %arg16[%swap3A_257] {strides = array<i32>} : memref<16384xi32, #tpu.memory_space<vmem>>, vector<16xi32>,
      tpu.vector_store %arg16[%swap3A_257], %gather3A_256 {strides = array<i32>} : memref<16384xi32, #tpu.memory_space<vmem>>, vector<16xi32>,
      %scan3A_259 = arith.constant 0 : i32
      scf.yield %scan3A_259 : i32
    }
    %scan3A_191 = arith.constant 64 : i32
    %dma_wait3A_192 = arith.constant 0 : i32
    %dma_wait3A_193 = tpu.memref_slice %arg18[%dma_wait3A_192] : memref<1000448xi32, #tpu.memory_space<vmem_shared>> -> memref<1000448xi32, #tpu.memory_space<vmem_shared>>
    tpu.wait_indirect_dma semaphore(%arg22 : memref<!tpu.dma_semaphore, #tpu.memory_space<semaphore_mem>>) src(%dma_wait3A_193 : memref<1000448xi32, #tpu.memory_space<vmem_shared>>) dst(%arg14 : memref<8192xi32, #tpu.memory_space<vmem>>)
    %add3A_194 = arith.constant 24576 : i32
    %add3A_195 = arith.addi %mul3A_2, %add3A_194 : i32
    %dma_start3A_196 = tpu.memref_slice %arg10[%add3A_195] : memref<1048576xi32, #tpu.memory_space<hbm>> -> memref<8192xi32, #tpu.memory_space<hbm>>
    %dma_start3A_197 = tpu.memref_slice %arg10[%add3A_195] : memref<1048576xi32, #tpu.memory_space<hbm>> -> memref<8192xi32, #tpu.memory_space<hbm>>
    tpu.enqueue_dma source(%arg14 : memref<8192xi32, #tpu.memory_space<vmem>>) target(%dma_start3A_197 : memref<8192xi32, #tpu.memory_space<hbm>>) target_semaphore(%arg24 : memref<!tpu.dma_semaphore, #tpu.memory_space<semaphore_mem>>)
    %add3A_198 = arith.constant 16384 : i32
    %add3A_199 = arith.addi %mul3A_2, %add3A_198 : i32
    %dma_start3A_200 = tpu.memref_slice %arg9[%add3A_199] : memref<1048576xi32, #tpu.memory_space<hbm>> -> memref<16384xi32, #tpu.memory_space<hbm>>
    %dma_start3A_201 = tpu.memref_slice %arg9[%add3A_199] : memref<1048576xi32, #tpu.memory_space<hbm>> -> memref<16384xi32, #tpu.memory_space<hbm>>
    tpu.enqueue_dma source(%arg16 : memref<16384xi32, #tpu.memory_space<vmem>>) target(%dma_start3A_201 : memref<16384xi32, #tpu.memory_space<hbm>>) target_semaphore(%arg26 : memref<!tpu.dma_semaphore, #tpu.memory_space<semaphore_mem>>)
    %dma_wait3A_202 = tpu.memref_slice %arg10[%add3A_182] : memref<1048576xi32, #tpu.memory_space<hbm>> -> memref<8192xi32, #tpu.memory_space<hbm>>
    %dma_wait3A_203 = tpu.memref_slice %arg10[%add3A_182] : memref<1048576xi32, #tpu.memory_space<hbm>> -> memref<8192xi32, #tpu.memory_space<hbm>>
    tpu.wait_dma2 semaphore(%arg23 : memref<!tpu.dma_semaphore, #tpu.memory_space<semaphore_mem>>) src(%arg13 : memref<8192xi32, #tpu.memory_space<vmem>>) dst(%dma_wait3A_203 : memref<8192xi32, #tpu.memory_space<hbm>>)
    %dma_wait3A_204 = tpu.memref_slice %arg10[%add3A_195] : memref<1048576xi32, #tpu.memory_space<hbm>> -> memref<8192xi32, #tpu.memory_space<hbm>>
    %dma_wait3A_205 = tpu.memref_slice %arg10[%add3A_195] : memref<1048576xi32, #tpu.memory_space<hbm>> -> memref<8192xi32, #tpu.memory_space<hbm>>
    tpu.wait_dma2 semaphore(%arg24 : memref<!tpu.dma_semaphore, #tpu.memory_space<semaphore_mem>>) src(%arg14 : memref<8192xi32, #tpu.memory_space<vmem>>) dst(%dma_wait3A_205 : memref<8192xi32, #tpu.memory_space<hbm>>)
    %dma_wait3A_206 = tpu.memref_slice %arg9[%add3A_199] : memref<1048576xi32, #tpu.memory_space<hbm>> -> memref<16384xi32, #tpu.memory_space<hbm>>
    %dma_wait3A_207 = tpu.memref_slice %arg9[%add3A_199] : memref<1048576xi32, #tpu.memory_space<hbm>> -> memref<16384xi32, #tpu.memory_space<hbm>>
    tpu.wait_dma2 semaphore(%arg26 : memref<!tpu.dma_semaphore, #tpu.memory_space<semaphore_mem>>) src(%arg16 : memref<16384xi32, #tpu.memory_space<vmem>>) dst(%dma_wait3A_207 : memref<16384xi32, #tpu.memory_space<hbm>>)
    return
  }
}

</mosaic_0001>

<sc_bundles>
// kernel: kernel.3.cloned.1.call-start
scs
__scs_entry_jumppad:
0x0: {  	(pc) =	sbr.rel $0x88, $3  }
0x1: {  	(tag) =	ssettag $0x0;
	lr =	simm.s32 $0x1  }
0x2: {  	[smem:$0x3F9E] =	sst lr;
	_ =	strace $0xD0000000  }
0x3: {  	_ = 	snop  }
0x4: {  	_ = 	snop  }
0x5: {  	_ = 	snop  }
0x6: {  	_ = 	snop  }
0x7: {  	_ = 	snop  }
__scs_overlays_trampoline_lowered:
0x8: {  	[smem:$0x3FAD] =	sst s0  }
0x9: {  	[smem:$0x3FAE] =	sst s1  }
0xa: {  	[smem:$0x3FAF] =	sst s2  }
0xb: {  	[smem:$0x3FB0] =	sst s3  }
0xc: {  	[smem:$0x3FB1] =	sst s4  }
0xd: {  	[smem:$0x3FB2] =	sst s5  }
0xe: {  	[smem:$0x3FB3] =	sst s6  }
0xf: {  	[smem:$0x3FB4] =	sst s7  }
0x10: {  	[smem:$0x3FB5] =	sst s8  }
0x11: {  	[smem:$0x3FB6] =	sst s9;
	s0 =	simm.s32 @!p0 $0x0  }
0x12: {  	s1 =	sld [smem:$0x3F9C];
	s0 =	simm.s32 @p0 $0x1  }
0x13: {  	[smem:$0x3FB7] =	sst s0;
	s0 =	simm.s32 @!p1 $0x0  }
0x14: {  	s2 =	sld [smem:$0x3F9B];
	s0 =	simm.s32 @p1 $0x1  }
0x15: {  	[smem:$0x3FB8] =	sst s0;
	s0 =	simm.s32 @!p2 $0x0  }
0x16: {  	s3 =	sld [smem:$0x3FDB];
	s0 =	simm.s32 @p2 $0x1  }
0x17: {  	s4 =	simm.s32 $0x1BF5;
	[smem:$0x3FBA] =	sst s0  }
0x18: {  	s0 =	sld [smem:$0x3F9D];
	_ =	swait.ge [sflag:s4], $0x0  }
0x19: {  	s7 =	sld [smem:$0x3F9E]  }
0x1a: {  	s8 =	sadd.s32 $0xFFFFE003, lr  }
0x1b: {  	s9 =	sadd.s32 $0xFFFFFEF7, lr;
	s5 =	simm.s32 $0xFFFFFFFF;
	p2 =	slt.u32 s8, $0xFFFFF086  }
0x1c: {  	p1 =	slt.u32 s9, $0xF7A;
	s5 =	simm.s32 @!p2 $0x0  }
0x1d: {  	s5 =	simm.s32 @p1 $0x1;
	p0 =	seq.s32 s7, s2  }
0x1e: {  	s7 =	smul.u32 @!p0 $0xF7A, s2;
	p2 =	seq.s32 @!p0 s5, $0x0  }
0x1f: {  	s9 =	smul.u32 $0xF7A, s1;
	s8 =	simm.s32 @!p0 $0x1BF5;
	p2 =	por !p2, p0  }
0x20: {  	[sflag:s8] =	ssyncset.s32 @!p0 $0xFFFFF086;
	s6 =	sadd.s32 @!p0 s3, s7;
	s7 =	simm.s32 @!p0 $0x108  }
0x21: {  	s3 =	sadd.s32 s3, s9;
	s6 =	sadd.s32 @!p0 $0x88, s6;
	s7 =	simm.s32 @p2 $0x1082  }
0x22: {  	[simem:s7], [sflag:s8] =	dma.local @!p0 [hbm:s6], $0xF7A  }
0x23: {  	s9 =	sor.u32 $0xD0000000, s2;
	s6 =	simm.s32 $0x108;
	_ =	swait.ge @!p0 [sflag:s8], $0x0  }
0x24: {  	s3 =	sadd.s32 $0x88, s3;
	s6 =	simm.s32 @!p1 $0x1082;
	[sflag:s4] =	ssyncset.s32 $0xFFFFF086  }
0x25: {  	[simem:s6], [sflag:s4] =	dma.local [hbm:s3], $0xF7A  }
0x26: {  	[smem:$0x3F9E] =	sst s1;
	(tag) =	ssettag s2;
	_ =	strace s9  }
0x27: {  	s1 =	sld [smem:$0x3FAE]  }
0x28: {  	s2 =	sld [smem:$0x3FAF]  }
0x29: {  	s4 =	sld [smem:$0x3FB1]  }
0x2a: {  	p0 =	seq.s32 s5, $0x0;
	s5 =	sld [smem:$0x3FB2]  }
0x2b: {  	s6 =	sld [smem:$0x3FB3]  }
0x2c: {  	s7 =	sld [smem:$0x3FB4]  }
0x2d: {  	s3 =	simm.s32 $0x108;
	s8 =	sld [smem:$0x3FB5]  }
0x2e: {  	s3 =	simm.s32 @!p0 $0x1082;
	s9 =	sld [smem:$0x3FB6]  }
0x2f: {  	lr =	sadd.s32 s0, s3;
	s0 =	sld [smem:$0x3FAD]  }
0x30: {  	s3 =	sld [smem:$0x3FB0]  }
0x31: {  	[smem:$0x3FB9] =	sst s10  }
0x32: {  	s10 =	sld [smem:$0x3FB7];
	_ =	sdelay $0x3  }
0x33: {  	p0 =	seq.s32 s10, $0x1;
	s10 =	sld [smem:$0x3FB9];
	_ =	sdelay $0x3  }
0x34: {  	[smem:$0x3FB9] =	sst s10  }
0x35: {  	s10 =	sld [smem:$0x3FB8];
	_ =	sdelay $0x3  }
0x36: {  	p1 =	seq.s32 s10, $0x1;
	s10 =	sld [smem:$0x3FB9];
	_ =	sdelay $0x3  }
0x37: {  	[smem:$0x3FB9] =	sst s10  }
0x38: {  	s10 =	sld [smem:$0x3FBA]  }
0x39: {  	_ = 	snop;
	(pc) =	sbr.ind lr, $3  }
0x3a: {  	_ = 	snop  }
0x3b: {  	_ = 	snop  }
0x3c: {  	p2 =	seq.s32 s10, $0x1;
	s10 =	sld [smem:$0x3FB9]  }
0x3d: {  	_ =	shalt  }
0x3e: {  	_ =	shalt  }
0x3f: {  	_ =	shalt  }
0x40: {  	_ =	shalt  }
0x41: {  	_ =	shalt  }
0x42: {  	_ =	shalt  }
0x43: {  	_ =	shalt  }
0x44: {  	_ =	shalt  }
0x45: {  	_ =	shalt  }
0x46: {  	_ =	shalt  }
0x47: {  	_ =	shalt  }
0x48: {  	_ =	shalt  }
0x49: {  	_ =	shalt  }
0x4a: {  	_ =	shalt  }
0x4b: {  	_ =	shalt  }
0x4c: {  	_ =	shalt  }
0x4d: {  	_ =	shalt  }
0x4e: {  	_ =	shalt  }
0x4f: {  	_ =	shalt  }
0x50: {  	_ =	shalt  }
0x51: {  	_ =	shalt  }
0x52: {  	_ =	shalt  }
0x53: {  	_ =	shalt  }
0x54: {  	_ =	shalt  }
0x55: {  	_ =	shalt  }
0x56: {  	_ =	shalt  }
0x57: {  	_ =	shalt  }
0x58: {  	_ =	shalt  }
0x59: {  	_ =	shalt  }
0x5a: {  	_ =	shalt  }
0x5b: {  	_ =	shalt  }
0x5c: {  	_ =	shalt  }
0x5d: {  	_ =	shalt  }
0x5e: {  	_ =	shalt  }
0x5f: {  	_ =	shalt  }
0x60: {  	_ =	shalt  }
0x61: {  	_ =	shalt  }
0x62: {  	_ =	shalt  }
0x63: {  	_ =	shalt  }
0x64: {  	_ =	shalt  }
0x65: {  	_ =	shalt  }
0x66: {  	_ =	shalt  }
0x67: {  	_ =	shalt  }
0x68: {  	_ =	shalt  }
0x69: {  	_ =	shalt  }
0x6a: {  	_ =	shalt  }
0x6b: {  	_ =	shalt  }
0x6c: {  	_ =	shalt  }
0x6d: {  	_ =	shalt  }
0x6e: {  	_ =	shalt  }
0x6f: {  	_ =	shalt  }
0x70: {  	_ =	shalt  }
0x71: {  	_ =	shalt  }
0x72: {  	_ =	shalt  }
0x73: {  	_ =	shalt  }
0x74: {  	_ =	shalt  }
0x75: {  	_ =	shalt  }
0x76: {  	_ =	shalt  }
0x77: {  	_ =	shalt  }
0x78: {  	_ =	shalt  }
0x79: {  	_ =	shalt  }
0x7a: {  	_ =	shalt  }
0x7b: {  	_ =	shalt  }
0x7c: {  	_ =	shalt  }
0x7d: {  	_ =	shalt  }
0x7e: {  	_ =	shalt  }
0x7f: {  	_ =	shalt  }
0x80: {  	_ =	shalt  }
0x81: {  	_ =	shalt  }
0x82: {  	_ =	shalt  }
0x83: {  	_ =	shalt  }
0x84: {  	_ =	shalt  }
0x85: {  	_ =	shalt  }
0x86: {  	_ =	shalt  }
0x87: {  	_ =	shalt  }
.Lfunc_end0:
.L_simem_size_0:
called_computation_lowered:
.L_overlay_start_0:
0x88: {  	s2 =	sld [smem:$0x3FD9]  }
0x89: {  	s3 =	sld [smem:$0x3FFE];
	_ =	sdelay $0x1  }
0x8a: {  	s1 =	srdreg.scid  }
0x8b: {  	s0 =	sand.u32 $0x1, s1  }
0x8c: {  	s17 =	sshll.u32 s0, $0xA;
	s2 =	sadd.s32 s3, s2  }
0x8d: {  	s2 =	sadd.s32 s2, s17  }
0x8e: {  	[smem:$0x3FC5] =	sst s2  }
0x8f: {  	_ = 	snop  }
0x90: {  	s2 =	sld [smem:$0x3FC8]  }
0x91: {  	s18 =	sld [smem:$0x3FD0];
	(tm) =	ssettm $0x1  }
0x92: {  	s4 =	sld [smem:$0x3FFB];
	_ =	sdelay $0x3  }
0x93: {  	_ =	strace s4  }
0x94: {  	s4 =	sld [smem:$0x3FFC];
	_ =	sdelay $0x3  }
0x95: {  	_ =	strace s4  }
0x96: {  	s4 =	sld [smem:$0x3FFD];
	_ =	sdelay $0x3  }
0x97: {  	_ =	strace s4  }
0x98: {  	_ =	strace $0x8FFFFFFF  }
0x99: {  	s19 =	sld [smem:$0x3FDB];
	_ =	sdelay $0x1  }
0x9a: {  	s5 =	simm.s32 $_scs_section_size  }
0x9b: {  	s6 =	simm.s32 $_size__tile_overlayer_lowered;
	s7 =	simm.s32 $_tile_overlayer_lowered  }
0x9c: {  	s22 =	simm.s32 $0x1BFF;
	s21 =	sshll.u32 s7, $0x1;
	s4 =	sadd.s32 s5, s19  }
0x9d: {  	s8 =	simm.s32 $0x0;
	s20 =	sshll.u32 s6, $0x1;
	s6 =	sadd.s32 s21, s4  }
0x9e: {  	[timem:s8], [sflag:s22] =	dma.local [hbm:s6], s20  }
0x9f: {  	_ =	swait.ge [sflag:s22], s20  }
0xa0: {  	s5 =	ssub.s32 $0x0, s20;
	[sflag:s22] =	ssyncset.done $0x0  }
0xa1: {  	[sflag:s22] =	ssyncadd.s32 s5;
	_ =	sdelay $0x1  }
0xa2: {  	s23 =	simm.s32 $0x1B8B  }
0xa3: {  	_ =	swait.ge [sflag:s23], $0x1  }
0xa4: {  	[sflag:s23] =	ssyncset.done $0x0  }
0xa5: {  	s25 =	simm.s32 $0x1B8E;
	s24 =	sld [smem:$0x3FFE];
	[sflag:s23] =	ssyncadd.s32 $0xFFFFFFFF  }
0xa6: {  	s26 =	simm.s32 $execute0_lowered;
	[smem:$0x3FD2] =	sst s25  }
0xa7: {  	s6 =	sshll.u32 s26, $0x1;
	_ =	strace $0x80000046;
	[dreg:$0x1] =	wrdreg $0xFFFFFFFF  }
0xa8: {  	s28 =	simm.s32 $_size_execute0_lowered;
	s4 =	sadd.s32 s4, s6;
	[dreg:$0x0] =	wrdreg $0x0  }
0xa9: {  	s6 =	sshll.u32 s28, $0x1;
	[dreg:$0x2] =	wrdreg s4  }
0xaa: {  	[dreg:$0x3] =	wrdreg s6  }
0xab: {  	[dreg:$0x4] =	wrdreg $0xC0  }
0xac: {  	_ =	task [dreg:s8], $0x5FFFF  }
0xad: {  	[dreg:$0x1] =	wrdreg $0xFFFFFFFF  }
0xae: {  	[dreg:$0x0] =	wrdreg $0x60  }
0xaf: {  	[dreg:$0x2] =	wrdreg s24  }
0xb0: {  	[dreg:$0x3] =	wrdreg s18  }
0xb1: {  	[dreg:$0x4] =	wrdreg s2  }
0xb2: {  	[dreg:$0x5] =	wrdreg $0x104000  }
0xb3: {  	[dreg:$0x6] =	wrdreg $0x9  }
0xb4: {  	_ =	task.clear_ibuf [dreg:s8], $0x7FFFF;
	_ =	strace $0x90000046  }
0xb5: {  	s29 =	simm.s32 $0x9;
	_ =	strace $0x80000048  }
0xb6: {  	_ =	swait.ge [sflag:s29], $0x1  }
0xb7: {  	[sflag:s29] =	ssyncadd.s32 $0xFFFFFFFF  }
0xb8: {  	_ =	strace $0x90000048  }
0xb9: {  	_ =	sfence  }
0xba: {  	s30 =	sld [smem:$0x0];
	_ =	sdelay $0x2  }
0xbb: {  	s31 =	sshll.u32 s1, $0xD;
	s1 =	sshrl.u32 s1, $0x2  }
0xbc: {  	s3 =	sand.u32 $0x4000, s31;
	s1 =	sadd.s32 s1, s30  }
0xbd: {  	s0 =	sor.u32 s3, s0;
	s1 =	sshll.u32 s1, $0x11  }
0xbe: {  	s0 =	sor.u32 s1, s0  }
0xbf: {  	s0 =	sadd.s32 $0x8F2B, s0  }
0xc0: {  	[sflag:s0] =	ssyncadd.remote.s32 $0x1  }
0xc1: {  	_ =	sfence.sel $0xFFFF  }
0xc2: {  	[dreg:$0x0] =	wrdreg $0xFFFFFFFF;
	(pc) =	sbr.abs _section_cstart, $3  }
0xc3: {  	[dreg:$0x1] =	wrdreg $0xFFFFFFFF  }
0xc4: {  	_ =	task.clear_ibuf [dreg:s8], $0x2FFFF;
	_ =	strace $0x9FFFFFFF  }
0xc5: {  	(tm) =	ssettm $0x7FFFFFFF  }
tec
execute0_lowered:
.L_overlay_start_1:
0x0: {  	(tag) =	ssettag $0x1  }
0x1: {  	s1 =	rddreg [dreg:$0x0]  }
0x2: {  	s2 =	rddreg [dreg:$0x1]  }
0x3: {  	s3 =	rddreg [dreg:$0x2]  }
0x4: {  	s0 =	simm.s32 $0x0;
	s4 =	srdreg.scid;
	s14 =	stileid.u32  }
0x5: {  	[smem:$0x7FF] =	sst s0;
	s5 =	sadd.s32 $0x20E00, s1;
	s4 =	sand.u32 $0x1, s4  }
0x6: {  	s6 =	sadd.s32 $0xE00, s1;
	s7 =	sadd.s32 $0x40E00, s1;
	s9 =	sadd.s32 $0x60E00, s1  }
0x7: {  	s11 =	sshll.u32 s14, $0xD;
	s12 =	smul.u32 $0xF400, s14;
	s13 =	sadd.s32 $0x80E00, s1  }
0x8: {  	p0 =	sne.s32 s14, $0x1;
	s8 =	ssub.s32 $0x2, s4;
	s4 =	sshll.u32 s4, $0xC  }
0x9: {  	s10 =	sshrl.u32 s8, $0x1;
	s4 =	sor.u32 s4, s11;
	s16 =	sshrl.u32 s12, $0x3  }
0xa: {  	s11 =	simm.s32 $0x4;
	s8 =	ssub.s32 s8, s10;
	s19 =	sadd.s32 s5, s4  }
0xb: {  	s20 =	sor.u32 $0x400, s4;
	s17 =	sadd.s32 s6, s4;
	[dreg:$0x5] =	wrdreg s19  }
0xc: {  	s3 =	sadd.s32 s3, s16;
	s18 =	sadd.s32 s7, s4;
	[dreg:$0x7] =	wrdreg s17  }
0xd: {  	s21 =	sor.u32 $0xC00, s4;
	s25 =	sadd.s32 s2, s4;
	[dreg:$0x8] =	wrdreg s3  }
0xe: {  	s26 =	sadd.s32 s9, s4;
	s10 =	simm.s32 $0x5;
	[dreg:$0x9] =	wrdreg s18  }
0xf: {  	s15 =	sadd.s32 s5, s20;
	s19 =	sor.u32 $0x800, s4;
	[dreg:$0xe] =	wrdreg s25  }
0x10: {  	s23 =	sadd.s32 s7, s20;
	[dreg:$0xf] =	wrdreg s26;
	s4 =	sadd.s32 s13, s4  }
0x11: {  	s16 =	sadd.s32 s13, s20;
	s25 =	sadd.s32 $0xC00, s1;
	[dreg:$0x6] =	wrdreg s15  }
0x12: {  	s18 =	sshll.u32 s14, $0x6;
	s26 =	sadd.s32 $0xA00, s1;
	[dreg:$0xb] =	wrdreg s23  }
0x13: {  	s29 =	smax.u32 s8, $0x1;
	s1 =	simm.s32 $0x8000;
	[dreg:$0x13] =	wrdreg s4  }
0x14: {  	s3 =	simm.s32 $0x10000;
	s22 =	sadd.s32 s5, s19;
	[dreg:$0x14] =	wrdreg s16  }
0x15: {  	s8 =	simm.s32 $0x6000;
	s5 =	sadd.s32 s5, s21;
	[dreg:$0xa] =	wrdreg s22  }
0x16: {  	s14 =	simm.s32 $0x8;
	s24 =	sadd.s32 s7, s19;
	[dreg:$0xc] =	wrdreg s5  }
0x17: {  	s6 =	sadd.s32 s6, s19;
	s7 =	sadd.s32 s7, s21;
	[dreg:$0xd] =	wrdreg s24  }
0x18: {  	s15 =	sadd.s32 s2, s20;
	s17 =	sadd.s32 s2, s19;
	[dreg:$0x10] =	wrdreg s6  }
0x19: {  	s20 =	sadd.s32 s2, s21;
	s21 =	sadd.s32 s13, s21;
	[dreg:$0x11] =	wrdreg s7  }
0x1a: {  	s23 =	sadd.s32 s13, s19;
	s28 =	sor.u32 $0x1C09, s18;
	[dreg:$0x12] =	wrdreg s15  }
0x1b: {  	s18 =	simm.s32 $0x2000;
	s4 =	simm.s32 $0x1;
	[dreg:$0x15] =	wrdreg s17  }
0x1c: {  	s13 =	simm.s32 $0xC000;
	s22 =	rddreg [dreg:$0x3];
	s24 =	sadd.s32 s9, s19  }
0x1d: {  	s5 =	simm.s32 $0x4000;
	s6 =	simm.s32 $0x7;
	s7 =	simm.s32 $0x2  }
0x1e: {  	s9 =	simm.s32 $0x3;
	s15 =	simm.s32 $0x0;
	_ =	strace $0x80000047  }
0x1f: {  	s19 =	sadd.s32 s12, s22;
	s2 =	sadd.s32 $0xF4000, s22;
	s12 =	simm.s32 $0x6  }
0x20: {  	s30 =	sshrl.u32 s19, $0x3;
	s31 =	sshrl.u32 @!p0 s2, $0x3;
	s2 =	simm.s32 $0x9  }
.LBB2_1:
0x21: {  	s16 =	rddreg [dreg:$0x5]  }
0x22: {  	s19 =	rddreg [dreg:$0x6]  }
0x23: {  	[tilespmem:s0], [sflag:$0x1] =	stream.linear.gather [hbm4b:s16+s0], $0x2000, $0x38;
	[tilespmem:$0x1F840] =	vst v63  }
0x24: {  	s17 =	rddreg [dreg:$0x7]  }
0x25: {  	[tilespmem:s18], [sflag:$0x2] =	stream.linear.gather [hbm4b:s19+s0], $0x2000, $0x38;
	[tilespmem:$0x1F840] =	vst v63  }
0x26: {  	s19 =	rddreg [dreg:$0x8]  }
0x27: {  	[tilespmem:s1], [sflag:$0x7] =	stream.linear.gather [hbm4b:s17+s0], $0x4000, $0x38;
	[tilespmem:$0x1F840] =	vst v63  }
0x28: {  	[spmem:s30], [sflag:s28] =	dma.local [hbm:s19], $0x1E80  }
0x29: {  	_ =	swait.ge [sflag:s2], $0x1E80  }
0x2a: {  	[sflag:s2] =	ssyncset.done $0x0  }
0x2b: {  	s16 =	simm.s32 @!p0 $0x9;
	[sflag:s2] =	ssyncadd.s32 $0xFFFFE180  }
0x2c: {  	[spmem:s31], [sflag:s28] =	dma.local @!p0 [hbm:s25], $0x50  }
0x2d: {  	_ =	swait.ge @!p0 [sflag:s16], $0x50  }
0x2e: {  	[sflag:s16] =	ssyncset.done @!p0 $0x0  }
0x2f: {  	[sflag:s16] =	ssyncadd.s32 @!p0 $0xFFFFFFB0  }
0x30: {  	[tilespmem:s3], [sflag:$0x9] =	stream.linear.gather [hbm4b:s26+s0], $0x400, $0x38;
	[tilespmem:$0x1F840] =	vst v63  }
0x31: {  	_ =	swait.ge [sflag:s2], $0x400  }
0x32: {  	[sflag:s2] =	ssyncset.done $0x0  }
0x33: {  	[sflag:s2] =	ssyncadd.s32 $0xFFFFFC00  }
0x34: {  	[bflag:$0x0] =	sbarrier.arrive $0xFFFF  }
0x35: {  	_ =	swait.ge [sflag:s4], $0x2000  }
0x36: {  	[sflag:s4] =	ssyncset.done $0x0  }
0x37: {  	[sflag:s4] =	ssyncadd.s32 $0xFFFFE000  }
0x38: {  	[tilespmem:s5], [sflag:$0x3] =	stream.indirect.gather [spmem:s22], $0x1, s0, s18, $0xb8;
	[tilespmem:$0x1F840] =	vst v63  }
0x39: {  	_ =	swait.ge [sflag:s6], $0x4000  }
0x3a: {  	[sflag:s6] =	ssyncset.done $0x0  }
0x3b: {  	[sflag:s6] =	ssyncadd.s32 $0xFFFFC000  }
0x3c: {  	_ =	swait.ge [sflag:s7], $0x2000  }
0x3d: {  	[sflag:s7] =	ssyncset.done $0x0  }
0x3e: {  	s16 =	simm.s32 $0x0;
	[sflag:s7] =	ssyncadd.s32 $0xFFFFE000  }
0x3f: {  	[tilespmem:s8], [sflag:$0x4] =	stream.indirect.gather [spmem:s22], $0x1, s18, s18, $0xb8;
	[tilespmem:$0x1F840] =	vst v63  }
0x40: {  	v0 =	vld [tilespmem:s16+$0x8000];
	_ =	sdelay $0x5  }
0x41: {  	v1 =	vld [tilespmem:s16+$0x8010];
	_ =	sdelay $0x1  }
0x42: {  	v0 =	vld.idx.msk [tilespmem:v0+s3+$0x0], $0xffff;
	_ =	sdelay $0x4  }
0x43: {  	v2 =	vld [tilespmem:s16+$0x8020];
	[tilespmem:s16+$0xC000] =	vst v0  }
0x44: {  	v0 =	vld.idx.msk [tilespmem:v1+s3+$0x0], $0xffff;
	_ =	sdelay $0x4  }
0x45: {  	[tilespmem:s16+$0xC010] =	vst v0;
	v0 =	vld [tilespmem:s16+$0x8030];
	_ =	sdelay $0x1  }
0x46: {  	v1 =	vld.idx.msk [tilespmem:v2+s3+$0x0], $0xffff;
	_ =	sdelay $0x3  }
0x47: {  	s17 =	simm.s32 $0x200;
	s19 =	simm.s32 $0x40  }
.LBB2_2:
0x48: {  	p1 =	sne.s32 s17, $0x3F00;
	v2 =	vld [tilespmem:s19+$0x8000];
	[tilespmem:s16+$0xC020] =	vst v1  }
0x49: {  	v0 =	vld.idx.msk [tilespmem:v0+s3+$0x0], $0xffff;
	_ =	sdelay $0x5  }
0x4a: {  	v1 =	vld [tilespmem:s19+$0x8010];
	[tilespmem:s16+$0xC030] =	vst v0;
	s16 =	smov.u32 s19  }
0x4b: {  	v0 =	vld.idx.msk [tilespmem:v2+s3+$0x0], $0xffff;
	_ =	sdelay $0x5  }
0x4c: {  	[tilespmem:s16+$0xC000] =	vst v0;
	v2 =	vld [tilespmem:s16+$0x8020]  }
0x4d: {  	v0 =	vld.idx.msk [tilespmem:v1+s3+$0x0], $0xffff;
	_ =	sdelay $0x5  }
0x4e: {  	[tilespmem:s16+$0xC010] =	vst v0;
	v0 =	vld [tilespmem:s16+$0x8030]  }
0x4f: {  	v1 =	vld.idx.msk [tilespmem:v2+s3+$0x0], $0xffff  }
.Ltmp0:
0x50: {  	(pc) =	sbr.rel @p1 .LBB2_2-.Ltmp0, $2  }
0x51: {  	_ =	sdelay $0x2  }
0x52: {  	s19 =	sshra.s32 s17, $0x2;
	s17 =	sadd.s32 $0x100, s17  }
0x53: {  	_ =	sdelay $0x1  }
0x54: {  	v2 =	vld [tilespmem:s19+$0x8000]  }
0x55: {  	[tilespmem:s16+$0xC020] =	vst v1  }
0x56: {  	v0 =	vld.idx.msk [tilespmem:v0+s3+$0x0], $0xffff;
	_ =	sdelay $0x3  }
0x57: {  	v1 =	vld [tilespmem:s19+$0x8010]  }
0x58: {  	[tilespmem:s16+$0xC030] =	vst v0  }
0x59: {  	v0 =	vld.idx.msk [tilespmem:v2+s3+$0x0], $0xffff;
	_ =	sdelay $0x4  }
0x5a: {  	[tilespmem:s19+$0xC000] =	vst v0;
	v0 =	vld [tilespmem:s19+$0x8020]  }
0x5b: {  	v1 =	vld.idx.msk [tilespmem:v1+s3+$0x0], $0xffff;
	_ =	sdelay $0x4  }
0x5c: {  	[tilespmem:s19+$0xC010] =	vst v1;
	v1 =	vld [tilespmem:s19+$0x8030];
	_ =	sdelay $0x1  }
0x5d: {  	v0 =	vld.idx.msk [tilespmem:v0+s3+$0x0], $0xffff;
	_ =	sdelay $0x4  }
0x5e: {  	[tilespmem:s19+$0xC020] =	vst v0  }
0x5f: {  	v0 =	vld.idx.msk [tilespmem:v1+s3+$0x0], $0xffff;
	_ =	sdelay $0x4  }
0x60: {  	[tilespmem:s19+$0xC030] =	vst v0  }
0x61: {  	_ =	swait.ge [sflag:s9], $0x2000  }
0x62: {  	[sflag:s9] =	ssyncset.done $0x0  }
0x63: {  	s16 =	simm.s32 $0x0;
	s17 =	rddreg [dreg:$0x9];
	[sflag:s9] =	ssyncadd.s32 $0xFFFFE000  }
0x64: {  	[hbm4b:s17+s16] =	stream.linear.scatter [tilespmem:s5], [sflag:$0x5], $0x2000, $0x38;
	[tilespmem:$0x1F840] =	vst v63  }
0x65: {  	s19 =	rddreg [dreg:$0xa]  }
0x66: {  	[tilespmem:s16], [sflag:$0x1] =	stream.linear.gather [hbm4b:s19+s16], $0x2000, $0x38;
	[tilespmem:$0x1F840] =	vst v63  }
0x67: {  	_ =	swait.ge [sflag:s4], $0x2000  }
0x68: {  	[sflag:s4] =	ssyncset.done $0x0  }
0x69: {  	[sflag:s4] =	ssyncadd.s32 $0xFFFFE000  }
0x6a: {  	_ =	swait.ge [sflag:s10], $0x2000  }
0x6b: {  	[sflag:s10] =	ssyncset.done $0x0  }
0x6c: {  	[sflag:s10] =	ssyncadd.s32 $0xFFFFE000  }
0x6d: {  	[tilespmem:s5], [sflag:$0x3] =	stream.indirect.gather [spmem:s22], $0x1, s16, s18, $0xb8;
	[tilespmem:$0x1F840] =	vst v63  }
0x6e: {  	s16 =	simm.s32 $0x0  }
0x6f: {  	v0 =	vld [tilespmem:s16+$0x9000];
	_ =	sdelay $0x5  }
0x70: {  	v1 =	vld [tilespmem:s16+$0x9010];
	_ =	sdelay $0x1  }
0x71: {  	v0 =	vld.idx.msk [tilespmem:v0+s3+$0x0], $0xffff;
	_ =	sdelay $0x4  }
0x72: {  	v2 =	vld [tilespmem:s16+$0x9020];
	[tilespmem:s16+$0xD000] =	vst v0  }
0x73: {  	v0 =	vld.idx.msk [tilespmem:v1+s3+$0x0], $0xffff;
	_ =	sdelay $0x4  }
0x74: {  	[tilespmem:s16+$0xD010] =	vst v0;
	v0 =	vld [tilespmem:s16+$0x9030];
	_ =	sdelay $0x1  }
0x75: {  	v1 =	vld.idx.msk [tilespmem:v2+s3+$0x0], $0xffff;
	_ =	sdelay $0x3  }
0x76: {  	s17 =	simm.s32 $0x200;
	s19 =	simm.s32 $0x40  }
.LBB2_4:
0x77: {  	p1 =	sne.s32 s17, $0x3F00;
	v2 =	vld [tilespmem:s19+$0x9000];
	[tilespmem:s16+$0xD020] =	vst v1  }
0x78: {  	v0 =	vld.idx.msk [tilespmem:v0+s3+$0x0], $0xffff;
	_ =	sdelay $0x5  }
0x79: {  	v1 =	vld [tilespmem:s19+$0x9010];
	[tilespmem:s16+$0xD030] =	vst v0;
	s16 =	smov.u32 s19  }
0x7a: {  	v0 =	vld.idx.msk [tilespmem:v2+s3+$0x0], $0xffff;
	_ =	sdelay $0x5  }
0x7b: {  	[tilespmem:s16+$0xD000] =	vst v0;
	v2 =	vld [tilespmem:s16+$0x9020]  }
0x7c: {  	v0 =	vld.idx.msk [tilespmem:v1+s3+$0x0], $0xffff;
	_ =	sdelay $0x5  }
0x7d: {  	[tilespmem:s16+$0xD010] =	vst v0;
	v0 =	vld [tilespmem:s16+$0x9030]  }
0x7e: {  	v1 =	vld.idx.msk [tilespmem:v2+s3+$0x0], $0xffff  }
.Ltmp1:
0x7f: {  	(pc) =	sbr.rel @p1 .LBB2_4-.Ltmp1, $2  }
0x80: {  	_ =	sdelay $0x2  }
0x81: {  	s19 =	sshra.s32 s17, $0x2;
	s17 =	sadd.s32 $0x100, s17  }
0x82: {  	_ =	sdelay $0x1  }
0x83: {  	v2 =	vld [tilespmem:s19+$0x9000]  }
0x84: {  	[tilespmem:s16+$0xD020] =	vst v1  }
0x85: {  	v0 =	vld.idx.msk [tilespmem:v0+s3+$0x0], $0xffff;
	_ =	sdelay $0x3  }
0x86: {  	v1 =	vld [tilespmem:s19+$0x9010]  }
0x87: {  	[tilespmem:s16+$0xD030] =	vst v0  }
0x88: {  	v0 =	vld.idx.msk [tilespmem:v2+s3+$0x0], $0xffff;
	_ =	sdelay $0x4  }
0x89: {  	[tilespmem:s19+$0xD000] =	vst v0;
	v0 =	vld [tilespmem:s19+$0x9020]  }
0x8a: {  	v1 =	vld.idx.msk [tilespmem:v1+s3+$0x0], $0xffff;
	_ =	sdelay $0x4  }
0x8b: {  	[tilespmem:s19+$0xD010] =	vst v1;
	v1 =	vld [tilespmem:s19+$0x9030];
	_ =	sdelay $0x1  }
0x8c: {  	v0 =	vld.idx.msk [tilespmem:v0+s3+$0x0], $0xffff;
	_ =	sdelay $0x4  }
0x8d: {  	[tilespmem:s19+$0xD020] =	vst v0  }
0x8e: {  	v0 =	vld.idx.msk [tilespmem:v1+s3+$0x0], $0xffff;
	_ =	sdelay $0x4  }
0x8f: {  	[tilespmem:s19+$0xD030] =	vst v0  }
0x90: {  	_ =	swait.ge [sflag:s11], $0x2000  }
0x91: {  	[sflag:s11] =	ssyncset.done $0x0  }
0x92: {  	s16 =	simm.s32 $0x0;
	s17 =	rddreg [dreg:$0xb];
	[sflag:s11] =	ssyncadd.s32 $0xFFFFE000  }
0x93: {  	[hbm4b:s17+s16] =	stream.linear.scatter [tilespmem:s8], [sflag:$0x6], $0x2000, $0x38;
	[tilespmem:$0x1F840] =	vst v63  }
0x94: {  	s19 =	rddreg [dreg:$0xc]  }
0x95: {  	[tilespmem:s18], [sflag:$0x2] =	stream.linear.gather [hbm4b:s19+s16], $0x2000, $0x38;
	[tilespmem:$0x1F840] =	vst v63  }
0x96: {  	_ =	swait.ge [sflag:s7], $0x2000  }
0x97: {  	[sflag:s7] =	ssyncset.done $0x0  }
0x98: {  	[sflag:s7] =	ssyncadd.s32 $0xFFFFE000  }
0x99: {  	_ =	swait.ge [sflag:s12], $0x2000  }
0x9a: {  	[sflag:s12] =	ssyncset.done $0x0  }
0x9b: {  	s16 =	simm.s32 $0x0;
	[sflag:s12] =	ssyncadd.s32 $0xFFFFE000  }
0x9c: {  	[tilespmem:s8], [sflag:$0x4] =	stream.indirect.gather [spmem:s22], $0x1, s18, s18, $0xb8;
	[tilespmem:$0x1F840] =	vst v63  }
0x9d: {  	v0 =	vld [tilespmem:s16+$0xA000];
	_ =	sdelay $0x5  }
0x9e: {  	v1 =	vld [tilespmem:s16+$0xA010];
	_ =	sdelay $0x1  }
0x9f: {  	v0 =	vld.idx.msk [tilespmem:v0+s3+$0x0], $0xffff;
	_ =	sdelay $0x4  }
0xa0: {  	v2 =	vld [tilespmem:s16+$0xA020];
	[tilespmem:s16+$0xE000] =	vst v0  }
0xa1: {  	v0 =	vld.idx.msk [tilespmem:v1+s3+$0x0], $0xffff;
	_ =	sdelay $0x4  }
0xa2: {  	[tilespmem:s16+$0xE010] =	vst v0;
	v0 =	vld [tilespmem:s16+$0xA030];
	_ =	sdelay $0x1  }
0xa3: {  	v1 =	vld.idx.msk [tilespmem:v2+s3+$0x0], $0xffff;
	_ =	sdelay $0x3  }
0xa4: {  	s17 =	simm.s32 $0x200;
	s19 =	simm.s32 $0x40  }
.LBB2_6:
0xa5: {  	p1 =	sne.s32 s17, $0x3F00;
	v2 =	vld [tilespmem:s19+$0xA000];
	[tilespmem:s16+$0xE020] =	vst v1  }
0xa6: {  	v0 =	vld.idx.msk [tilespmem:v0+s3+$0x0], $0xffff;
	_ =	sdelay $0x5  }
0xa7: {  	v1 =	vld [tilespmem:s19+$0xA010];
	[tilespmem:s16+$0xE030] =	vst v0;
	s16 =	smov.u32 s19  }
0xa8: {  	v0 =	vld.idx.msk [tilespmem:v2+s3+$0x0], $0xffff;
	_ =	sdelay $0x5  }
0xa9: {  	[tilespmem:s16+$0xE000] =	vst v0;
	v2 =	vld [tilespmem:s16+$0xA020]  }
0xaa: {  	v0 =	vld.idx.msk [tilespmem:v1+s3+$0x0], $0xffff;
	_ =	sdelay $0x5  }
0xab: {  	[tilespmem:s16+$0xE010] =	vst v0;
	v0 =	vld [tilespmem:s16+$0xA030]  }
0xac: {  	v1 =	vld.idx.msk [tilespmem:v2+s3+$0x0], $0xffff  }
.Ltmp2:
0xad: {  	(pc) =	sbr.rel @p1 .LBB2_6-.Ltmp2, $2  }
0xae: {  	_ =	sdelay $0x2  }
0xaf: {  	s19 =	sshra.s32 s17, $0x2;
	s17 =	sadd.s32 $0x100, s17  }
0xb0: {  	_ =	sdelay $0x1  }
0xb1: {  	v2 =	vld [tilespmem:s19+$0xA000]  }
0xb2: {  	[tilespmem:s16+$0xE020] =	vst v1  }
0xb3: {  	v0 =	vld.idx.msk [tilespmem:v0+s3+$0x0], $0xffff;
	_ =	sdelay $0x3  }
0xb4: {  	v1 =	vld [tilespmem:s19+$0xA010]  }
0xb5: {  	[tilespmem:s16+$0xE030] =	vst v0  }
0xb6: {  	v0 =	vld.idx.msk [tilespmem:v2+s3+$0x0], $0xffff;
	_ =	sdelay $0x4  }
0xb7: {  	[tilespmem:s19+$0xE000] =	vst v0;
	v0 =	vld [tilespmem:s19+$0xA020]  }
0xb8: {  	v1 =	vld.idx.msk [tilespmem:v1+s3+$0x0], $0xffff;
	_ =	sdelay $0x4  }
0xb9: {  	[tilespmem:s19+$0xE010] =	vst v1;
	v1 =	vld [tilespmem:s19+$0xA030];
	_ =	sdelay $0x1  }
0xba: {  	v0 =	vld.idx.msk [tilespmem:v0+s3+$0x0], $0xffff;
	_ =	sdelay $0x4  }
0xbb: {  	[tilespmem:s19+$0xE020] =	vst v0  }
0xbc: {  	v0 =	vld.idx.msk [tilespmem:v1+s3+$0x0], $0xffff;
	_ =	sdelay $0x4  }
0xbd: {  	[tilespmem:s19+$0xE030] =	vst v0  }
0xbe: {  	_ =	swait.ge [sflag:s9], $0x2000  }
0xbf: {  	[sflag:s9] =	ssyncset.done $0x0  }
0xc0: {  	s16 =	simm.s32 $0x0;
	s17 =	rddreg [dreg:$0xd];
	[sflag:s9] =	ssyncadd.s32 $0xFFFFE000  }
0xc1: {  	[hbm4b:s17+s16] =	stream.linear.scatter [tilespmem:s5], [sflag:$0x5], $0x2000, $0x38;
	[tilespmem:$0x1F840] =	vst v63  }
0xc2: {  	s19 =	rddreg [dreg:$0xe]  }
0xc3: {  	[tilespmem:s16], [sflag:$0x1] =	stream.linear.gather [hbm4b:s19+s16], $0x2000, $0x38;
	[tilespmem:$0x1F840] =	vst v63  }
0xc4: {  	_ =	swait.ge [sflag:s4], $0x2000  }
0xc5: {  	[sflag:s4] =	ssyncset.done $0x0  }
0xc6: {  	[sflag:s4] =	ssyncadd.s32 $0xFFFFE000  }
0xc7: {  	_ =	swait.ge [sflag:s10], $0x2000  }
0xc8: {  	[sflag:s10] =	ssyncset.done $0x0  }
0xc9: {  	[sflag:s10] =	ssyncadd.s32 $0xFFFFE000  }
0xca: {  	[tilespmem:s5], [sflag:$0x3] =	stream.indirect.gather [spmem:s22], $0x1, s16, s18, $0xb8;
	[tilespmem:$0x1F840] =	vst v63  }
0xcb: {  	s16 =	simm.s32 $0x0  }
0xcc: {  	v0 =	vld [tilespmem:s16+$0xB000];
	_ =	sdelay $0x5  }
0xcd: {  	v1 =	vld [tilespmem:s16+$0xB010];
	_ =	sdelay $0x1  }
0xce: {  	v0 =	vld.idx.msk [tilespmem:v0+s3+$0x0], $0xffff;
	_ =	sdelay $0x4  }
0xcf: {  	v2 =	vld [tilespmem:s16+$0xB020];
	[tilespmem:s16+$0xF000] =	vst v0  }
0xd0: {  	v0 =	vld.idx.msk [tilespmem:v1+s3+$0x0], $0xffff;
	_ =	sdelay $0x4  }
0xd1: {  	[tilespmem:s16+$0xF010] =	vst v0;
	v0 =	vld [tilespmem:s16+$0xB030];
	_ =	sdelay $0x1  }
0xd2: {  	v1 =	vld.idx.msk [tilespmem:v2+s3+$0x0], $0xffff;
	_ =	sdelay $0x3  }
0xd3: {  	s17 =	simm.s32 $0x200;
	s19 =	simm.s32 $0x40  }
.LBB2_8:
0xd4: {  	p1 =	sne.s32 s17, $0x3F00;
	v2 =	vld [tilespmem:s19+$0xB000];
	[tilespmem:s16+$0xF020] =	vst v1  }
0xd5: {  	v0 =	vld.idx.msk [tilespmem:v0+s3+$0x0], $0xffff;
	_ =	sdelay $0x5  }
0xd6: {  	v1 =	vld [tilespmem:s19+$0xB010];
	[tilespmem:s16+$0xF030] =	vst v0;
	s16 =	smov.u32 s19  }
0xd7: {  	v0 =	vld.idx.msk [tilespmem:v2+s3+$0x0], $0xffff;
	_ =	sdelay $0x5  }
0xd8: {  	[tilespmem:s16+$0xF000] =	vst v0;
	v2 =	vld [tilespmem:s16+$0xB020]  }
0xd9: {  	v0 =	vld.idx.msk [tilespmem:v1+s3+$0x0], $0xffff;
	_ =	sdelay $0x5  }
0xda: {  	[tilespmem:s16+$0xF010] =	vst v0;
	v0 =	vld [tilespmem:s16+$0xB030]  }
0xdb: {  	v1 =	vld.idx.msk [tilespmem:v2+s3+$0x0], $0xffff  }
.Ltmp3:
0xdc: {  	(pc) =	sbr.rel @p1 .LBB2_8-.Ltmp3, $2  }
0xdd: {  	_ =	sdelay $0x2  }
0xde: {  	s19 =	sshra.s32 s17, $0x2;
	s17 =	sadd.s32 $0x100, s17  }
0xdf: {  	_ =	sdelay $0x1  }
0xe0: {  	v2 =	vld [tilespmem:s19+$0xB000]  }
0xe1: {  	[tilespmem:s16+$0xF020] =	vst v1  }
0xe2: {  	v0 =	vld.idx.msk [tilespmem:v0+s3+$0x0], $0xffff;
	_ =	sdelay $0x3  }
0xe3: {  	v1 =	vld [tilespmem:s19+$0xB010]  }
0xe4: {  	[tilespmem:s16+$0xF030] =	vst v0  }
0xe5: {  	v0 =	vld.idx.msk [tilespmem:v2+s3+$0x0], $0xffff;
	_ =	sdelay $0x4  }
0xe6: {  	[tilespmem:s19+$0xF000] =	vst v0;
	v0 =	vld [tilespmem:s19+$0xB020]  }
0xe7: {  	v1 =	vld.idx.msk [tilespmem:v1+s3+$0x0], $0xffff;
	_ =	sdelay $0x4  }
0xe8: {  	[tilespmem:s19+$0xF010] =	vst v1;
	v1 =	vld [tilespmem:s19+$0xB030];
	_ =	sdelay $0x1  }
0xe9: {  	v0 =	vld.idx.msk [tilespmem:v0+s3+$0x0], $0xffff;
	_ =	sdelay $0x4  }
0xea: {  	[tilespmem:s19+$0xF020] =	vst v0  }
0xeb: {  	v0 =	vld.idx.msk [tilespmem:v1+s3+$0x0], $0xffff;
	_ =	sdelay $0x4  }
0xec: {  	s17 =	rddreg [dreg:$0xf];
	s16 =	simm.s32 $0x0;
	[tilespmem:s19+$0xF030] =	vst v0  }
0xed: {  	[hbm4b:s17+s16] =	stream.linear.scatter [tilespmem:s13], [sflag:$0x8], $0x4000, $0x38;
	[tilespmem:$0x1F840] =	vst v63  }
0xee: {  	s19 =	rddreg [dreg:$0x10]  }
0xef: {  	[tilespmem:s1], [sflag:$0x7] =	stream.linear.gather [hbm4b:s19+s16], $0x4000, $0x38;
	[tilespmem:$0x1F840] =	vst v63  }
0xf0: {  	_ =	swait.ge [sflag:s11], $0x2000  }
0xf1: {  	[sflag:s11] =	ssyncset.done $0x0  }
0xf2: {  	s19 =	rddreg [dreg:$0x11];
	[sflag:s11] =	ssyncadd.s32 $0xFFFFE000  }
0xf3: {  	[hbm4b:s19+s16] =	stream.linear.scatter [tilespmem:s8], [sflag:$0x6], $0x2000, $0x38;
	[tilespmem:$0x1F840] =	vst v63  }
0xf4: {  	s19 =	rddreg [dreg:$0x12]  }
0xf5: {  	[tilespmem:s18], [sflag:$0x2] =	stream.linear.gather [hbm4b:s19+s16], $0x2000, $0x38;
	[tilespmem:$0x1F840] =	vst v63  }
0xf6: {  	_ =	swait.ge [sflag:s7], $0x2000  }
0xf7: {  	[sflag:s7] =	ssyncset.done $0x0  }
0xf8: {  	[sflag:s7] =	ssyncadd.s32 $0xFFFFE000  }
0xf9: {  	_ =	swait.ge [sflag:s12], $0x2000  }
0xfa: {  	[sflag:s12] =	ssyncset.done $0x0  }
0xfb: {  	[sflag:s12] =	ssyncadd.s32 $0xFFFFE000  }
0xfc: {  	[tilespmem:s8], [sflag:$0x4] =	stream.indirect.gather [spmem:s22], $0x1, s18, s18, $0xb8;
	[tilespmem:$0x1F840] =	vst v63  }
0xfd: {  	_ =	swait.ge [sflag:s6], $0x4000  }
0xfe: {  	[sflag:s6] =	ssyncset.done $0x0  }
0xff: {  	[sflag:s6] =	ssyncadd.s32 $0xFFFFC000  }
0x100: {  	_ =	swait.ge [sflag:s14], $0x4000  }
0x101: {  	[sflag:s14] =	ssyncset.done $0x0  }
0x102: {  	s16 =	simm.s32 $0x0;
	[sflag:s14] =	ssyncadd.s32 $0xFFFFC000  }
0x103: {  	v0 =	vld [tilespmem:s16+$0x8000];
	_ =	sdelay $0x5  }
0x104: {  	v1 =	vld [tilespmem:s16+$0x8010];
	_ =	sdelay $0x1  }
0x105: {  	v0 =	vld.idx.msk [tilespmem:v0+s3+$0x0], $0xffff;
	_ =	sdelay $0x4  }
0x106: {  	v2 =	vld [tilespmem:s16+$0x8020];
	[tilespmem:s16+$0xC000] =	vst v0  }
0x107: {  	v0 =	vld.idx.msk [tilespmem:v1+s3+$0x0], $0xffff;
	_ =	sdelay $0x4  }
0x108: {  	[tilespmem:s16+$0xC010] =	vst v0;
	v0 =	vld [tilespmem:s16+$0x8030];
	_ =	sdelay $0x1  }
0x109: {  	v1 =	vld.idx.msk [tilespmem:v2+s3+$0x0], $0xffff;
	_ =	sdelay $0x3  }
0x10a: {  	s17 =	simm.s32 $0x200;
	s19 =	simm.s32 $0x40  }
.LBB2_10:
0x10b: {  	p1 =	sne.s32 s17, $0x3F00;
	v2 =	vld [tilespmem:s19+$0x8000];
	[tilespmem:s16+$0xC020] =	vst v1  }
0x10c: {  	v0 =	vld.idx.msk [tilespmem:v0+s3+$0x0], $0xffff;
	_ =	sdelay $0x5  }
0x10d: {  	v1 =	vld [tilespmem:s19+$0x8010];
	[tilespmem:s16+$0xC030] =	vst v0;
	s16 =	smov.u32 s19  }
0x10e: {  	v0 =	vld.idx.msk [tilespmem:v2+s3+$0x0], $0xffff;
	_ =	sdelay $0x5  }
0x10f: {  	[tilespmem:s16+$0xC000] =	vst v0;
	v2 =	vld [tilespmem:s16+$0x8020]  }
0x110: {  	v0 =	vld.idx.msk [tilespmem:v1+s3+$0x0], $0xffff;
	_ =	sdelay $0x5  }
0x111: {  	[tilespmem:s16+$0xC010] =	vst v0;
	v0 =	vld [tilespmem:s16+$0x8030]  }
0x112: {  	v1 =	vld.idx.msk [tilespmem:v2+s3+$0x0], $0xffff  }
.Ltmp4:
0x113: {  	(pc) =	sbr.rel @p1 .LBB2_10-.Ltmp4, $2  }
0x114: {  	_ =	sdelay $0x2  }
0x115: {  	s19 =	sshra.s32 s17, $0x2;
	s17 =	sadd.s32 $0x100, s17  }
0x116: {  	_ =	sdelay $0x1  }
0x117: {  	v2 =	vld [tilespmem:s19+$0x8000]  }
0x118: {  	[tilespmem:s16+$0xC020] =	vst v1  }
0x119: {  	v0 =	vld.idx.msk [tilespmem:v0+s3+$0x0], $0xffff;
	_ =	sdelay $0x3  }
0x11a: {  	v1 =	vld [tilespmem:s19+$0x8010]  }
0x11b: {  	[tilespmem:s16+$0xC030] =	vst v0  }
0x11c: {  	v0 =	vld.idx.msk [tilespmem:v2+s3+$0x0], $0xffff;
	_ =	sdelay $0x4  }
0x11d: {  	[tilespmem:s19+$0xC000] =	vst v0;
	v0 =	vld [tilespmem:s19+$0x8020]  }
0x11e: {  	v1 =	vld.idx.msk [tilespmem:v1+s3+$0x0], $0xffff;
	_ =	sdelay $0x4  }
0x11f: {  	[tilespmem:s19+$0xC010] =	vst v1;
	v1 =	vld [tilespmem:s19+$0x8030];
	_ =	sdelay $0x1  }
0x120: {  	v0 =	vld.idx.msk [tilespmem:v0+s3+$0x0], $0xffff;
	_ =	sdelay $0x4  }
0x121: {  	[tilespmem:s19+$0xC020] =	vst v0  }
0x122: {  	v0 =	vld.idx.msk [tilespmem:v1+s3+$0x0], $0xffff;
	_ =	sdelay $0x4  }
0x123: {  	[tilespmem:s19+$0xC030] =	vst v0  }
0x124: {  	_ =	swait.ge [sflag:s9], $0x2000  }
0x125: {  	[sflag:s9] =	ssyncset.done $0x0  }
0x126: {  	s16 =	simm.s32 $0x0;
	s17 =	rddreg [dreg:$0x13];
	[sflag:s9] =	ssyncadd.s32 $0xFFFFE000  }
0x127: {  	[hbm4b:s17+s16] =	stream.linear.scatter [tilespmem:s5], [sflag:$0x5], $0x2000, $0x38;
	[tilespmem:$0x1F840] =	vst v63  }
0x128: {  	s19 =	rddreg [dreg:$0x15]  }
0x129: {  	[tilespmem:s16], [sflag:$0x1] =	stream.linear.gather [hbm4b:s19+s16], $0x2000, $0x38;
	[tilespmem:$0x1F840] =	vst v63  }
0x12a: {  	_ =	swait.ge [sflag:s4], $0x2000  }
0x12b: {  	[sflag:s4] =	ssyncset.done $0x0  }
0x12c: {  	[sflag:s4] =	ssyncadd.s32 $0xFFFFE000  }
0x12d: {  	_ =	swait.ge [sflag:s10], $0x2000  }
0x12e: {  	[sflag:s10] =	ssyncset.done $0x0  }
0x12f: {  	[sflag:s10] =	ssyncadd.s32 $0xFFFFE000  }
0x130: {  	[tilespmem:s5], [sflag:$0x3] =	stream.indirect.gather [spmem:s22], $0x1, s16, s18, $0xb8;
	[tilespmem:$0x1F840] =	vst v63  }
0x131: {  	s16 =	simm.s32 $0x0  }
0x132: {  	v0 =	vld [tilespmem:s16+$0x9000];
	_ =	sdelay $0x5  }
0x133: {  	v1 =	vld [tilespmem:s16+$0x9010];
	_ =	sdelay $0x1  }
0x134: {  	v0 =	vld.idx.msk [tilespmem:v0+s3+$0x0], $0xffff;
	_ =	sdelay $0x4  }
0x135: {  	v2 =	vld [tilespmem:s16+$0x9020];
	[tilespmem:s16+$0xD000] =	vst v0  }
0x136: {  	v0 =	vld.idx.msk [tilespmem:v1+s3+$0x0], $0xffff;
	_ =	sdelay $0x4  }
0x137: {  	[tilespmem:s16+$0xD010] =	vst v0;
	v0 =	vld [tilespmem:s16+$0x9030];
	_ =	sdelay $0x1  }
0x138: {  	v1 =	vld.idx.msk [tilespmem:v2+s3+$0x0], $0xffff;
	_ =	sdelay $0x3  }
0x139: {  	s17 =	simm.s32 $0x200;
	s19 =	simm.s32 $0x40  }
.LBB2_12:
0x13a: {  	p1 =	sne.s32 s17, $0x3F00;
	v2 =	vld [tilespmem:s19+$0x9000];
	[tilespmem:s16+$0xD020] =	vst v1  }
0x13b: {  	v0 =	vld.idx.msk [tilespmem:v0+s3+$0x0], $0xffff;
	_ =	sdelay $0x5  }
0x13c: {  	v1 =	vld [tilespmem:s19+$0x9010];
	[tilespmem:s16+$0xD030] =	vst v0;
	s16 =	smov.u32 s19  }
0x13d: {  	v0 =	vld.idx.msk [tilespmem:v2+s3+$0x0], $0xffff;
	_ =	sdelay $0x5  }
0x13e: {  	[tilespmem:s16+$0xD000] =	vst v0;
	v2 =	vld [tilespmem:s16+$0x9020]  }
0x13f: {  	v0 =	vld.idx.msk [tilespmem:v1+s3+$0x0], $0xffff;
	_ =	sdelay $0x5  }
0x140: {  	[tilespmem:s16+$0xD010] =	vst v0;
	v0 =	vld [tilespmem:s16+$0x9030]  }
0x141: {  	v1 =	vld.idx.msk [tilespmem:v2+s3+$0x0], $0xffff  }
.Ltmp5:
0x142: {  	(pc) =	sbr.rel @p1 .LBB2_12-.Ltmp5, $2  }
0x143: {  	_ =	sdelay $0x2  }
0x144: {  	s19 =	sshra.s32 s17, $0x2;
	s17 =	sadd.s32 $0x100, s17  }
0x145: {  	_ =	sdelay $0x1  }
0x146: {  	v2 =	vld [tilespmem:s19+$0x9000]  }
0x147: {  	[tilespmem:s16+$0xD020] =	vst v1  }
0x148: {  	v0 =	vld.idx.msk [tilespmem:v0+s3+$0x0], $0xffff;
	_ =	sdelay $0x3  }
0x149: {  	v1 =	vld [tilespmem:s19+$0x9010]  }
0x14a: {  	[tilespmem:s16+$0xD030] =	vst v0  }
0x14b: {  	v0 =	vld.idx.msk [tilespmem:v2+s3+$0x0], $0xffff;
	_ =	sdelay $0x4  }
0x14c: {  	[tilespmem:s19+$0xD000] =	vst v0;
	v0 =	vld [tilespmem:s19+$0x9020]  }
0x14d: {  	v1 =	vld.idx.msk [tilespmem:v1+s3+$0x0], $0xffff;
	_ =	sdelay $0x4  }
0x14e: {  	[tilespmem:s19+$0xD010] =	vst v1;
	v1 =	vld [tilespmem:s19+$0x9030];
	_ =	sdelay $0x1  }
0x14f: {  	v0 =	vld.idx.msk [tilespmem:v0+s3+$0x0], $0xffff;
	_ =	sdelay $0x4  }
0x150: {  	[tilespmem:s19+$0xD020] =	vst v0  }
0x151: {  	v0 =	vld.idx.msk [tilespmem:v1+s3+$0x0], $0xffff;
	_ =	sdelay $0x4  }
0x152: {  	[tilespmem:s19+$0xD030] =	vst v0  }
0x153: {  	_ =	swait.ge [sflag:s11], $0x2000  }
0x154: {  	[sflag:s11] =	ssyncset.done $0x0  }
0x155: {  	s19 =	simm.s32 $0x0;
	s17 =	rddreg [dreg:$0x14];
	[sflag:s11] =	ssyncadd.s32 $0xFFFFE000  }
0x156: {  	[hbm4b:s17+s19] =	stream.linear.scatter [tilespmem:s8], [sflag:$0x6], $0x2000, $0x38;
	[tilespmem:$0x1F840] =	vst v63  }
0x157: {  	_ = 	snop  }
0x158: {  	[tilespmem:s18], [sflag:$0x2] =	stream.linear.gather [hbm4b:s20+s19], $0x2000, $0x38;
	[tilespmem:$0x1F840] =	vst v63  }
0x159: {  	_ =	swait.ge [sflag:s7], $0x2000  }
0x15a: {  	[sflag:s7] =	ssyncset.done $0x0  }
0x15b: {  	[sflag:s7] =	ssyncadd.s32 $0xFFFFE000  }
0x15c: {  	_ =	swait.ge [sflag:s12], $0x2000  }
0x15d: {  	[sflag:s12] =	ssyncset.done $0x0  }
0x15e: {  	s16 =	simm.s32 $0x0;
	[sflag:s12] =	ssyncadd.s32 $0xFFFFE000  }
0x15f: {  	[tilespmem:s8], [sflag:$0x4] =	stream.indirect.gather [spmem:s22], $0x1, s18, s18, $0xb8;
	[tilespmem:$0x1F840] =	vst v63  }
0x160: {  	v0 =	vld [tilespmem:s16+$0xA000];
	_ =	sdelay $0x5  }
0x161: {  	v1 =	vld [tilespmem:s16+$0xA010];
	_ =	sdelay $0x1  }
0x162: {  	v0 =	vld.idx.msk [tilespmem:v0+s3+$0x0], $0xffff;
	_ =	sdelay $0x4  }
0x163: {  	v2 =	vld [tilespmem:s16+$0xA020];
	[tilespmem:s16+$0xE000] =	vst v0  }
0x164: {  	v0 =	vld.idx.msk [tilespmem:v1+s3+$0x0], $0xffff;
	_ =	sdelay $0x4  }
0x165: {  	[tilespmem:s16+$0xE010] =	vst v0;
	v0 =	vld [tilespmem:s16+$0xA030];
	_ =	sdelay $0x1  }
0x166: {  	v1 =	vld.idx.msk [tilespmem:v2+s3+$0x0], $0xffff;
	_ =	sdelay $0x3  }
0x167: {  	s17 =	simm.s32 $0x200;
	s19 =	simm.s32 $0x40  }
.LBB2_14:
0x168: {  	p1 =	sne.s32 s17, $0x3F00;
	v2 =	vld [tilespmem:s19+$0xA000];
	[tilespmem:s16+$0xE020] =	vst v1  }
0x169: {  	v0 =	vld.idx.msk [tilespmem:v0+s3+$0x0], $0xffff;
	_ =	sdelay $0x5  }
0x16a: {  	v1 =	vld [tilespmem:s19+$0xA010];
	[tilespmem:s16+$0xE030] =	vst v0;
	s16 =	smov.u32 s19  }
0x16b: {  	v0 =	vld.idx.msk [tilespmem:v2+s3+$0x0], $0xffff;
	_ =	sdelay $0x5  }
0x16c: {  	[tilespmem:s16+$0xE000] =	vst v0;
	v2 =	vld [tilespmem:s16+$0xA020]  }
0x16d: {  	v0 =	vld.idx.msk [tilespmem:v1+s3+$0x0], $0xffff;
	_ =	sdelay $0x5  }
0x16e: {  	[tilespmem:s16+$0xE010] =	vst v0;
	v0 =	vld [tilespmem:s16+$0xA030]  }
0x16f: {  	v1 =	vld.idx.msk [tilespmem:v2+s3+$0x0], $0xffff  }
.Ltmp6:
0x170: {  	(pc) =	sbr.rel @p1 .LBB2_14-.Ltmp6, $2  }
0x171: {  	_ =	sdelay $0x2  }
0x172: {  	s19 =	sshra.s32 s17, $0x2;
	s17 =	sadd.s32 $0x100, s17  }
0x173: {  	_ =	sdelay $0x1  }
0x174: {  	v2 =	vld [tilespmem:s19+$0xA000]  }
0x175: {  	[tilespmem:s16+$0xE020] =	vst v1  }
0x176: {  	v0 =	vld.idx.msk [tilespmem:v0+s3+$0x0], $0xffff;
	_ =	sdelay $0x3  }
0x177: {  	v1 =	vld [tilespmem:s19+$0xA010]  }
0x178: {  	[tilespmem:s16+$0xE030] =	vst v0  }
0x179: {  	v0 =	vld.idx.msk [tilespmem:v2+s3+$0x0], $0xffff;
	_ =	sdelay $0x4  }
0x17a: {  	[tilespmem:s19+$0xE000] =	vst v0;
	v0 =	vld [tilespmem:s19+$0xA020]  }
0x17b: {  	v1 =	vld.idx.msk [tilespmem:v1+s3+$0x0], $0xffff;
	_ =	sdelay $0x4  }
0x17c: {  	[tilespmem:s19+$0xE010] =	vst v1;
	v1 =	vld [tilespmem:s19+$0xA030];
	_ =	sdelay $0x1  }
0x17d: {  	v0 =	vld.idx.msk [tilespmem:v0+s3+$0x0], $0xffff;
	_ =	sdelay $0x4  }
0x17e: {  	[tilespmem:s19+$0xE020] =	vst v0  }
0x17f: {  	v0 =	vld.idx.msk [tilespmem:v1+s3+$0x0], $0xffff;
	_ =	sdelay $0x4  }
0x180: {  	[tilespmem:s19+$0xE030] =	vst v0  }
0x181: {  	_ =	swait.ge [sflag:s9], $0x2000  }
0x182: {  	[sflag:s9] =	ssyncset.done $0x0  }
0x183: {  	s16 =	simm.s32 $0x0;
	s19 =	simm.s32 $0x0;
	[sflag:s9] =	ssyncadd.s32 $0xFFFFE000  }
0x184: {  	[hbm4b:s23+s19] =	stream.linear.scatter [tilespmem:s5], [sflag:$0x5], $0x2000, $0x38;
	[tilespmem:$0x1F840] =	vst v63  }
0x185: {  	v0 =	vld [tilespmem:s16+$0xB000];
	_ =	sdelay $0x5  }
0x186: {  	v1 =	vld [tilespmem:s16+$0xB010];
	_ =	sdelay $0x1  }
0x187: {  	v0 =	vld.idx.msk [tilespmem:v0+s3+$0x0], $0xffff;
	_ =	sdelay $0x4  }
0x188: {  	v2 =	vld [tilespmem:s16+$0xB020];
	[tilespmem:s16+$0xF000] =	vst v0  }
0x189: {  	v0 =	vld.idx.msk [tilespmem:v1+s3+$0x0], $0xffff;
	_ =	sdelay $0x4  }
0x18a: {  	[tilespmem:s16+$0xF010] =	vst v0;
	v0 =	vld [tilespmem:s16+$0xB030];
	_ =	sdelay $0x1  }
0x18b: {  	v1 =	vld.idx.msk [tilespmem:v2+s3+$0x0], $0xffff;
	_ =	sdelay $0x3  }
0x18c: {  	s17 =	simm.s32 $0x200;
	s19 =	simm.s32 $0x40  }
.LBB2_16:
0x18d: {  	p1 =	sne.s32 s17, $0x3F00;
	v2 =	vld [tilespmem:s19+$0xB000];
	[tilespmem:s16+$0xF020] =	vst v1  }
0x18e: {  	v0 =	vld.idx.msk [tilespmem:v0+s3+$0x0], $0xffff;
	_ =	sdelay $0x5  }
0x18f: {  	v1 =	vld [tilespmem:s19+$0xB010];
	[tilespmem:s16+$0xF030] =	vst v0;
	s16 =	smov.u32 s19  }
0x190: {  	v0 =	vld.idx.msk [tilespmem:v2+s3+$0x0], $0xffff;
	_ =	sdelay $0x5  }
0x191: {  	[tilespmem:s16+$0xF000] =	vst v0;
	v2 =	vld [tilespmem:s16+$0xB020]  }
0x192: {  	v0 =	vld.idx.msk [tilespmem:v1+s3+$0x0], $0xffff;
	_ =	sdelay $0x5  }
0x193: {  	[tilespmem:s16+$0xF010] =	vst v0;
	v0 =	vld [tilespmem:s16+$0xB030]  }
0x194: {  	v1 =	vld.idx.msk [tilespmem:v2+s3+$0x0], $0xffff  }
.Ltmp7:
0x195: {  	(pc) =	sbr.rel @p1 .LBB2_16-.Ltmp7, $2  }
0x196: {  	_ =	sdelay $0x2  }
0x197: {  	s19 =	sshra.s32 s17, $0x2;
	s17 =	sadd.s32 $0x100, s17  }
0x198: {  	_ =	sdelay $0x1  }
0x199: {  	v2 =	vld [tilespmem:s19+$0xB000]  }
0x19a: {  	[tilespmem:s16+$0xF020] =	vst v1  }
0x19b: {  	v0 =	vld.idx.msk [tilespmem:v0+s3+$0x0], $0xffff;
	_ =	sdelay $0x3  }
0x19c: {  	v1 =	vld [tilespmem:s19+$0xB010]  }
0x19d: {  	[tilespmem:s16+$0xF030] =	vst v0  }
0x19e: {  	v0 =	vld.idx.msk [tilespmem:v2+s3+$0x0], $0xffff;
	_ =	sdelay $0x3  }
0x19f: {  	v62 =	vld [tilespmem:s19+$0xB020]  }
0x1a0: {  	[tilespmem:s19+$0xF000] =	vst v0  }
0x1a1: {  	v1 =	vld.idx.msk [tilespmem:v1+s3+$0x0], $0xffff;
	_ =	sdelay $0x3  }
0x1a2: {  	v63 =	vld [tilespmem:s19+$0xB030]  }
0x1a3: {  	[tilespmem:s19+$0xF010] =	vst v1  }
0x1a4: {  	v0 =	vld.idx.msk [tilespmem:v62+s3+$0x0], $0xffff;
	_ =	sdelay $0x4  }
0x1a5: {  	[tilespmem:s19+$0xF020] =	vst v0  }
0x1a6: {  	v0 =	vld.idx.msk [tilespmem:v63+s3+$0x0], $0xffff;
	_ =	sdelay $0x4  }
0x1a7: {  	[tilespmem:s19+$0xF030] =	vst v0  }
0x1a8: {  	_ =	swait.ge [sflag:s11], $0x2000  }
0x1a9: {  	[sflag:s11] =	ssyncset.done $0x0  }
0x1aa: {  	[sflag:s11] =	ssyncadd.s32 $0xFFFFE000  }
0x1ab: {  	[hbm4b:s21+s0] =	stream.linear.scatter [tilespmem:s8], [sflag:$0x6], $0x2000, $0x38;
	[tilespmem:$0x1F840] =	vst v63  }
0x1ac: {  	_ = 	snop  }
0x1ad: {  	[hbm4b:s24+s0] =	stream.linear.scatter [tilespmem:s13], [sflag:$0x8], $0x4000, $0x38;
	[tilespmem:$0x1F840] =	vst v63  }
0x1ae: {  	_ =	swait.ge [sflag:s10], $0x2000  }
0x1af: {  	[sflag:s10] =	ssyncset.done $0x0  }
0x1b0: {  	s15 =	sadd.s32 $0x1, s15;
	[sflag:s10] =	ssyncadd.s32 $0xFFFFE000  }
0x1b1: {  	p1 =	sne.s32 s15, s29;
	_ =	swait.ge [sflag:s12], $0x2000  }
.Ltmp8:
0x1b2: {  	[sflag:s12] =	ssyncset.done $0x0;
	(pc) =	sbr.rel @p1 .LBB2_1-.Ltmp8, $4  }
0x1b3: {  	[sflag:s12] =	ssyncadd.s32 $0xFFFFE000  }
0x1b4: {  	_ =	swait.ge [sflag:s14], $0x4000  }
0x1b5: {  	[sflag:s14] =	ssyncset.done $0x0  }
0x1b6: {  	[sflag:s14] =	ssyncadd.s32 $0xFFFFC000  }
0x1b7: {  	_ =	sfence.sel $0x180000  }
0x1b8: {  	[bflag:$0x0] =	sbarrier.arrive $0xFFFF  }
0x1b9: {  	_ =	strace $0x90000047  }
0x1ba: {  	s0 =	stileid.u32;
	[bflag:$0x2] =	sbarrier.arrive $0xFFFF  }
0x1bb: {  	p0 =	sne.s32 s0, $0x0;
	s0 =	rddreg [dreg:$0x4]  }
0x1bc: {  	s0 =	sadd.s32 @!p0 $0x100000, s0  }
0x1bd: {  	[sflag:s0] =	ssyncadd.tile.s32 @!p0 $0x1;
	_ =	shalt  }
.Lfunc_end2:
_tile_overlayer_lowered:
.L_overlay_start_2:
0x1be: {  	(tag) =	ssettag $0x2  }
0x1bf: {  	s0 =	rddreg [dreg:$0x0];
	s2 =	stileid.u32  }
0x1c0: {  	s1 =	rddreg [dreg:$0x1];
	p0 =	sne.s32 s2, $0x0  }
0x1c1: {  	s3 =	rddreg [dreg:$0x2];
	[bflag:$0x3] =	sbarrier.arrive $0xFFFF;
	s2 =	simm.s32 @!p0 $0x1C09  }
0x1c2: {  	[timem:s3], [sflag:s2] =	dma.local @!p0 [hbm:s0], s1  }
0x1c3: {  	s0 =	simm.s32 @!p0 $0x9  }
0x1c4: {  	_ =	swait.ge @!p0 [sflag:s0], s1  }
0x1c5: {  	s1 =	ssub.s32 @!p0 $0x0, s1;
	[sflag:s0] =	ssyncset.done @!p0 $0x0  }
0x1c6: {  	[sflag:s0] =	ssyncadd.s32 @!p0 s1  }
0x1c7: {  	[bflag:$0x3] =	sbarrier.arrive $0xFFFF  }
0x1c8: {  	_ =	shalt  }

</sc_bundles>
